<compile_context>
chip_gen: v7x
topology: tpu7x:2x2x1
jax: 0.10.2.dev20260603
libtpu: 0.0.44.dev20260713+nightly
codegen_flags: <defaults>
</compile_context>

<pallas_src>
import functools

import jax
import jax.numpy as jnp
from jax import lax
from jax.experimental import pallas as pl
from jax.experimental.pallas import tpu as pltpu
from jax.experimental.pallas import tpu_sc as plsc

NUM_EXPERTS = 3
IN_FEATURES = 1024
OUT_FEATURES = 1024
N_TOKENS = 8192

BLK = 512
NP = N_TOKENS + NUM_EXPERTS * BLK
NB = NP // BLK

_INFO = plsc.get_sparse_core_info()
NC, NS = _INFO.num_cores, _INFO.num_subcores
NW = NC * NS
PER_W = N_TOKENS // NW
CH = 32
NCH = PER_W // CH

_mesh = plsc.VectorSubcoreMesh(core_axis_name="c", subcore_axis_name="s")



def _routing_body(ids_ref, dest_ref, be_ref):
    ids = ids_ref[...].astype(jnp.float32)
    rows, cols = ids.shape
    ui = lax.broadcasted_iota(jnp.int32, (cols, cols), 0)
    uj = lax.broadcasted_iota(jnp.int32, (cols, cols), 1)
    upper = (ui <= uj).astype(jnp.float32)
    si = lax.broadcasted_iota(jnp.int32, (rows, rows), 0)
    sj = lax.broadcasted_iota(jnp.int32, (rows, rows), 1)
    strict = (sj < si).astype(jnp.float32)

    counts = []
    ranks = []
    for e in range(NUM_EXPERTS):
        m = (ids == float(e)).astype(jnp.float32)
        rowcum = jax.lax.dot_general(
            m, upper, dimension_numbers=(((1,), (0,)), ((), ())),
            preferred_element_type=jnp.float32,
            precision=jax.lax.Precision.HIGHEST,
        )
        rowsum = rowcum[:, cols - 1:cols]
        rowpref = jax.lax.dot_general(
            strict, rowsum, dimension_numbers=(((1,), (0,)), ((), ())),
            preferred_element_type=jnp.float32,
            precision=jax.lax.Precision.HIGHEST,
        )
        ranks.append(rowcum - m + rowpref)
        counts.append(jnp.sum(m))

    seg = [jnp.float32(0.0)] * (NUM_EXPERTS + 1)
    for e in range(NUM_EXPERTS):
        padded = jnp.ceil(counts[e] / BLK) * BLK
        seg[e + 1] = seg[e] + padded

    dest = jnp.zeros_like(ids)
    for e in range(NUM_EXPERTS):
        m = (ids == float(e)).astype(jnp.float32)
        dest = dest + m * (seg[e] + ranks[e])
    dest_ref[...] = dest.astype(jnp.int32)

    bstart = lax.broadcasted_iota(jnp.int32, (1, 128), 1).astype(jnp.float32) * float(BLK)
    be = jnp.zeros((1, 128), jnp.float32)
    for e in range(1, NUM_EXPERTS):
        be = be + (bstart >= seg[e]).astype(jnp.float32)
    be_ref[...] = be.astype(jnp.int32)


def _routing(ids2d):
    return pl.pallas_call(
        _routing_body,
        in_specs=[pl.BlockSpec(ids2d.shape, lambda: (0, 0))],
        out_specs=[
            pl.BlockSpec(ids2d.shape, lambda: (0, 0)),
            pl.BlockSpec((1, 128), lambda: (0, 0)),
        ],
        out_shape=[
            jax.ShapeDtypeStruct(ids2d.shape, jnp.int32),
            jax.ShapeDtypeStruct((1, 128), jnp.int32),
        ],
    )(ids2d)



@functools.partial(
    pl.kernel,
    mesh=_mesh,
    out_type=jax.ShapeDtypeStruct((NP, IN_FEATURES), jnp.float32),
    scratch_types=[
        pltpu.VMEM((CH,), jnp.int32),
        pltpu.VMEM((CH,), jnp.int32),
        pltpu.VMEM((CH, IN_FEATURES), jnp.float32),
        pltpu.VMEM((CH, IN_FEATURES), jnp.float32),
        pltpu.SemaphoreType.DMA,
    ],
)
def _scatter_x(x_hbm, dest_hbm, xs_hbm, idx0, idx1, rows0, rows1, sem):
    wid = lax.axis_index("s") * NC + lax.axis_index("c")
    base = wid * PER_W
    idxs = [idx0, idx1]
    rows = [rows0, rows1]
    pltpu.sync_copy(dest_hbm.at[pl.ds(base, CH)], idx0)
    pltpu.sync_copy(x_hbm.at[pl.ds(base, CH)], rows0)
    h = pltpu.async_copy(rows0, xs_hbm.at[idx0], sem)
    for c in range(NCH):
        b = c & 1
        nxt = (c + 1) & 1
        if c + 1 < NCH:
            o = base + (c + 1) * CH
            pltpu.sync_copy(dest_hbm.at[pl.ds(o, CH)], idxs[nxt])
            pltpu.sync_copy(x_hbm.at[pl.ds(o, CH)], rows[nxt])
            hn = pltpu.async_copy(rows[nxt], xs_hbm.at[idxs[nxt]], sem)
        h.wait()
        if c + 1 < NCH:
            h = hn



def _mm_body(be_ref, xs_ref, w_ref, out_ref):
    del be_ref
    out_ref[...] = jax.lax.dot_general(
        xs_ref[...], w_ref[0],
        dimension_numbers=(((1,), (1,)), ((), ())),
        preferred_element_type=jnp.float32,
    )


def _grouped_mm(be, xs, w):
    grid_spec = pltpu.PrefetchScalarGridSpec(
        num_scalar_prefetch=1,
        grid=(NB,),
        in_specs=[
            pl.BlockSpec((BLK, IN_FEATURES), lambda i, be: (i, 0)),
            pl.BlockSpec(
                (1, OUT_FEATURES, IN_FEATURES), lambda i, be: (be[i], 0, 0)
            ),
        ],
        out_specs=pl.BlockSpec((BLK, OUT_FEATURES), lambda i, be: (i, 0)),
    )
    return pl.pallas_call(
        _mm_body,
        grid_spec=grid_spec,
        out_shape=jax.ShapeDtypeStruct((NP, OUT_FEATURES), jnp.float32),
    )(be, xs, w)



@functools.partial(
    pl.kernel,
    mesh=_mesh,
    out_type=jax.ShapeDtypeStruct((N_TOKENS, OUT_FEATURES), jnp.float32),
    scratch_types=[
        pltpu.VMEM((CH,), jnp.int32),
        pltpu.VMEM((CH,), jnp.int32),
        pltpu.VMEM((CH, OUT_FEATURES), jnp.float32),
        pltpu.VMEM((CH, OUT_FEATURES), jnp.float32),
        pltpu.SemaphoreType.DMA,
    ],
)
def _gather_out(os_hbm, dest_hbm, out_hbm, idx0, idx1, rows0, rows1, sem):
    wid = lax.axis_index("s") * NC + lax.axis_index("c")
    base = wid * PER_W
    idxs = [idx0, idx1]
    rows = [rows0, rows1]
    pltpu.sync_copy(dest_hbm.at[pl.ds(base, CH)], idx0)
    h = pltpu.async_copy(os_hbm.at[idx0], rows0, sem)
    for c in range(NCH):
        b = c & 1
        nxt = (c + 1) & 1
        if c + 1 < NCH:
            o = base + (c + 1) * CH
            pltpu.sync_copy(dest_hbm.at[pl.ds(o, CH)], idxs[nxt])
            hn = pltpu.async_copy(os_hbm.at[idxs[nxt]], rows[nxt], sem)
        h.wait()
        pltpu.sync_copy(rows[b], out_hbm.at[pl.ds(base + c * CH, CH)])
        if c + 1 < NCH:
            h = hn



def kernel(x, modality_ids, weight):
    w = weight.reshape(NUM_EXPERTS, OUT_FEATURES, IN_FEATURES)
    ids2d = modality_ids.astype(jnp.int32).reshape(64, 128)
    dest2d, be2d = _routing(ids2d)
    dest = dest2d.reshape(N_TOKENS)
    be = be2d.reshape(128)[:NB]
    xs = _scatter_x(x, dest)
    os = _grouped_mm(be, xs, w)
    return _gather_out(os, dest)

# --- scband reference (transcript-rebuilt; emitter-appended) ---
"""Pipeline reference for scband-mo-elinear-7808250544919 (READ-ONLY COPY).

The authoritative reference and input builder live on the scoring server;
editing this copy changes nothing except your own understanding.
"""

import jax, jax.numpy as jnp
import numpy as np

NUM_EXPERTS = 3
IN_FEATURES = 1024
OUT_FEATURES = 1024
N_TOKENS = 8192


def setup_inputs(seed: int = 0) -> dict:
    key = jax.random.key(seed)
    k1, k2, k3 = jax.random.split(key, 3)
    x = jax.random.normal(k1, (N_TOKENS, IN_FEATURES), dtype=jnp.float32)
    modality_ids = jax.random.randint(k2, (N_TOKENS,), 0, NUM_EXPERTS)
    # weight layout matches torch: [num_experts * out_features, in_features]
    weight = jax.random.normal(k3, (NUM_EXPERTS * OUT_FEATURES, IN_FEATURES), dtype=jnp.float32) * (1.0 / np.sqrt(IN_FEATURES))
    return {"x": x, "modality_ids": modality_ids, "weight": weight}


def reference(x, modality_ids, weight):
    # chunk weight into per-expert slices: [E, out, in]
    w = weight.reshape(NUM_EXPERTS, OUT_FEATURES, IN_FEATURES)
    # compute each expert's linear output for all tokens: [E, N, out]
    outs = jnp.einsum('ni,eoi->eno', x, w)
    # hard dispatch: select the output of the token's modality expert
    onehot = jax.nn.one_hot(modality_ids, NUM_EXPERTS, dtype=x.dtype)  # [N, E]
    out = jnp.einsum('ne,eno->no', onehot, outs)
    return out

if __name__ == "__main__":
    import jax
    _d = setup_inputs()
    print(jax.jit(kernel)(*tuple(_d.values())))

</pallas_src>

<mosaic_0001>
#map = affine_map<(d0, d1) -> (0, 0)>
#map1 = affine_map<(d0, d1) -> (0)>
module attributes {stable_mosaic.version = 14 : i64} {
  func.func @_gather_out(%arg0: i32, %arg1: i32, %arg2: memref<9728x1024xf32, #tpu.memory_space<hbm>>, %arg3: memref<8192xi32, #tpu.memory_space<hbm>>, %arg4: memref<8192x1024xf32, #tpu.memory_space<hbm>>, %arg5: memref<32xi32, #tpu.memory_space<vmem>>, %arg6: memref<32xi32, #tpu.memory_space<vmem>>, %arg7: memref<32x1024xf32, #tpu.memory_space<vmem>>, %arg8: memref<32x1024xf32, #tpu.memory_space<vmem>>, %arg9: memref<!tpu.dma_semaphore, #tpu.memory_space<semaphore_mem>>) attributes {dimension_semantics = [#tpu.dimension_semantics<core_parallel>, #tpu.dimension_semantics<subcore_parallel>], iteration_bounds = array<i64: 2, 16>, scalar_prefetch = 0 : i64, scratch_operands = 5 : i64, tpu.core_type = #tpu.core_type<sc_vector_subcore>, window_params = [{transform_indices = #map}, {transform_indices = #map1}, {transform_indices = #map}]} {
    %mul3A = arith.constant 2 : i32
    %mul3A_0 = arith.muli %arg1, %mul3A : i32
    %add3A = arith.addi %mul3A_0, %arg0 : i32
    %mul3A_1 = arith.constant 256 : i32
    %mul3A_2 = arith.muli %add3A, %mul3A_1 : i32
    "tpu.region"() ({
      %run_scoped3A = tpu.sem_alloc : memref<!tpu.dma_semaphore, #tpu.memory_space<semaphore_mem>>
      %dma_start3A_79 = tpu.memref_slice %arg3[%mul3A_2] : memref<8192xi32, #tpu.memory_space<hbm>> -> memref<32xi32, #tpu.memory_space<hbm>>
      %dma_start3A_80 = tpu.memref_slice %arg3[%mul3A_2] : memref<8192xi32, #tpu.memory_space<hbm>> -> memref<32xi32, #tpu.memory_space<hbm>>
      tpu.enqueue_dma source(%dma_start3A_80 : memref<32xi32, #tpu.memory_space<hbm>>) target(%arg5 : memref<32xi32, #tpu.memory_space<vmem>>) target_semaphore(%run_scoped3A : memref<!tpu.dma_semaphore, #tpu.memory_space<semaphore_mem>>)
      %dma_wait3A_81 = tpu.memref_slice %arg3[%mul3A_2] : memref<8192xi32, #tpu.memory_space<hbm>> -> memref<32xi32, #tpu.memory_space<hbm>>
      %dma_wait3A_82 = tpu.memref_slice %arg3[%mul3A_2] : memref<8192xi32, #tpu.memory_space<hbm>> -> memref<32xi32, #tpu.memory_space<hbm>>
      tpu.wait_dma2 semaphore(%run_scoped3A : memref<!tpu.dma_semaphore, #tpu.memory_space<semaphore_mem>>) src(%dma_wait3A_82 : memref<32xi32, #tpu.memory_space<hbm>>) dst(%arg5 : memref<32xi32, #tpu.memory_space<vmem>>)
      tpu.yield
    }) : () -> ()
    %dma_start3A = arith.constant 0 : i32
    %dma_start3A_3 = arith.constant 0 : i32
    %dma_start3A_4 = tpu.memref_slice %arg2[%dma_start3A, %dma_start3A_3] : memref<9728x1024xf32, #tpu.memory_space<hbm>> -> memref<9728x1024xf32, #tpu.memory_space<hbm>>
    tpu.enqueue_indirect_dma source(%dma_start3A_4 : memref<9728x1024xf32, #tpu.memory_space<hbm>>) target(%arg7 : memref<32x1024xf32, #tpu.memory_space<vmem>>) offsets(%arg5 : memref<32xi32, #tpu.memory_space<vmem>>) semaphore(%arg9 : memref<!tpu.dma_semaphore, #tpu.memory_space<semaphore_mem>>)
    %add3A_5 = arith.constant 32 : i32
    %add3A_6 = arith.addi %mul3A_2, %add3A_5 : i32
    "tpu.region"() ({
      %run_scoped3A = tpu.sem_alloc : memref<!tpu.dma_semaphore, #tpu.memory_space<semaphore_mem>>
      %dma_start3A_79 = tpu.memref_slice %arg3[%add3A_6] : memref<8192xi32, #tpu.memory_space<hbm>> -> memref<32xi32, #tpu.memory_space<hbm>>
      %dma_start3A_80 = tpu.memref_slice %arg3[%add3A_6] : memref<8192xi32, #tpu.memory_space<hbm>> -> memref<32xi32, #tpu.memory_space<hbm>>
      tpu.enqueue_dma source(%dma_start3A_80 : memref<32xi32, #tpu.memory_space<hbm>>) target(%arg6 : memref<32xi32, #tpu.memory_space<vmem>>) target_semaphore(%run_scoped3A : memref<!tpu.dma_semaphore, #tpu.memory_space<semaphore_mem>>)
      %dma_wait3A_81 = tpu.memref_slice %arg3[%add3A_6] : memref<8192xi32, #tpu.memory_space<hbm>> -> memref<32xi32, #tpu.memory_space<hbm>>
      %dma_wait3A_82 = tpu.memref_slice %arg3[%add3A_6] : memref<8192xi32, #tpu.memory_space<hbm>> -> memref<32xi32, #tpu.memory_space<hbm>>
      tpu.wait_dma2 semaphore(%run_scoped3A : memref<!tpu.dma_semaphore, #tpu.memory_space<semaphore_mem>>) src(%dma_wait3A_82 : memref<32xi32, #tpu.memory_space<hbm>>) dst(%arg6 : memref<32xi32, #tpu.memory_space<vmem>>)
      tpu.yield
    }) : () -> ()
    %dma_start3A_7 = arith.constant 0 : i32
    %dma_start3A_8 = arith.constant 0 : i32
    %dma_start3A_9 = tpu.memref_slice %arg2[%dma_start3A_7, %dma_start3A_8] : memref<9728x1024xf32, #tpu.memory_space<hbm>> -> memref<9728x1024xf32, #tpu.memory_space<hbm>>
    tpu.enqueue_indirect_dma source(%dma_start3A_9 : memref<9728x1024xf32, #tpu.memory_space<hbm>>) target(%arg8 : memref<32x1024xf32, #tpu.memory_space<vmem>>) offsets(%arg6 : memref<32xi32, #tpu.memory_space<vmem>>) semaphore(%arg9 : memref<!tpu.dma_semaphore, #tpu.memory_space<semaphore_mem>>)
    %dma_wait3A = arith.constant 0 : i32
    %dma_wait3A_10 = arith.constant 0 : i32
    %dma_wait3A_11 = tpu.memref_slice %arg2[%dma_wait3A, %dma_wait3A_10] : memref<9728x1024xf32, #tpu.memory_space<hbm>> -> memref<9728x1024xf32, #tpu.memory_space<hbm>>
    tpu.wait_indirect_dma semaphore(%arg9 : memref<!tpu.dma_semaphore, #tpu.memory_space<semaphore_mem>>) src(%dma_wait3A_11 : memref<9728x1024xf32, #tpu.memory_space<hbm>>) dst(%arg7 : memref<32x1024xf32, #tpu.memory_space<vmem>>)
    %add3A_12 = arith.constant 0 : i32
    %add3A_13 = arith.addi %mul3A_2, %add3A_12 : i32
    "tpu.region"() ({
      %run_scoped3A = tpu.sem_alloc : memref<!tpu.dma_semaphore, #tpu.memory_space<semaphore_mem>>
      %dma_start3A_79 = arith.constant 0 : i32
      %dma_start3A_80 = tpu.memref_slice %arg4[%add3A_13, %dma_start3A_79] : memref<8192x1024xf32, #tpu.memory_space<hbm>> -> memref<32x1024xf32, #tpu.memory_space<hbm>>
      %dma_start3A_81 = arith.constant 0 : i32
      %dma_start3A_82 = tpu.memref_slice %arg4[%add3A_13, %dma_start3A_81] : memref<8192x1024xf32, #tpu.memory_space<hbm>> -> memref<32x1024xf32, #tpu.memory_space<hbm>>
      tpu.enqueue_dma source(%arg7 : memref<32x1024xf32, #tpu.memory_space<vmem>>) target(%dma_start3A_82 : memref<32x1024xf32, #tpu.memory_space<hbm>>) target_semaphore(%run_scoped3A : memref<!tpu.dma_semaphore, #tpu.memory_space<semaphore_mem>>)
      %dma_wait3A_83 = arith.constant 0 : i32
      %dma_wait3A_84 = tpu.memref_slice %arg4[%add3A_13, %dma_wait3A_83] : memref<8192x1024xf32, #tpu.memory_space<hbm>> -> memref<32x1024xf32, #tpu.memory_space<hbm>>
      %dma_wait3A_85 = arith.constant 0 : i32
      %dma_wait3A_86 = tpu.memref_slice %arg4[%add3A_13, %dma_wait3A_85] : memref<8192x1024xf32, #tpu.memory_space<hbm>> -> memref<32x1024xf32, #tpu.memory_space<hbm>>
      tpu.wait_dma2 semaphore(%run_scoped3A : memref<!tpu.dma_semaphore, #tpu.memory_space<semaphore_mem>>) src(%arg7 : memref<32x1024xf32, #tpu.memory_space<vmem>>) dst(%dma_wait3A_86 : memref<32x1024xf32, #tpu.memory_space<hbm>>)
      tpu.yield
    }) : () -> ()
    %add3A_14 = arith.constant 64 : i32
    %add3A_15 = arith.addi %mul3A_2, %add3A_14 : i32
    "tpu.region"() ({
      %run_scoped3A = tpu.sem_alloc : memref<!tpu.dma_semaphore, #tpu.memory_space<semaphore_mem>>
      %dma_start3A_79 = tpu.memref_slice %arg3[%add3A_15] : memref<8192xi32, #tpu.memory_space<hbm>> -> memref<32xi32, #tpu.memory_space<hbm>>
      %dma_start3A_80 = tpu.memref_slice %arg3[%add3A_15] : memref<8192xi32, #tpu.memory_space<hbm>> -> memref<32xi32, #tpu.memory_space<hbm>>
      tpu.enqueue_dma source(%dma_start3A_80 : memref<32xi32, #tpu.memory_space<hbm>>) target(%arg5 : memref<32xi32, #tpu.memory_space<vmem>>) target_semaphore(%run_scoped3A : memref<!tpu.dma_semaphore, #tpu.memory_space<semaphore_mem>>)
      %dma_wait3A_81 = tpu.memref_slice %arg3[%add3A_15] : memref<8192xi32, #tpu.memory_space<hbm>> -> memref<32xi32, #tpu.memory_space<hbm>>
      %dma_wait3A_82 = tpu.memref_slice %arg3[%add3A_15] : memref<8192xi32, #tpu.memory_space<hbm>> -> memref<32xi32, #tpu.memory_space<hbm>>
      tpu.wait_dma2 semaphore(%run_scoped3A : memref<!tpu.dma_semaphore, #tpu.memory_space<semaphore_mem>>) src(%dma_wait3A_82 : memref<32xi32, #tpu.memory_space<hbm>>) dst(%arg5 : memref<32xi32, #tpu.memory_space<vmem>>)
      tpu.yield
    }) : () -> ()
    %dma_start3A_16 = arith.constant 0 : i32
    %dma_start3A_17 = arith.constant 0 : i32
    %dma_start3A_18 = tpu.memref_slice %arg2[%dma_start3A_16, %dma_start3A_17] : memref<9728x1024xf32, #tpu.memory_space<hbm>> -> memref<9728x1024xf32, #tpu.memory_space<hbm>>
    tpu.enqueue_indirect_dma source(%dma_start3A_18 : memref<9728x1024xf32, #tpu.memory_space<hbm>>) target(%arg7 : memref<32x1024xf32, #tpu.memory_space<vmem>>) offsets(%arg5 : memref<32xi32, #tpu.memory_space<vmem>>) semaphore(%arg9 : memref<!tpu.dma_semaphore, #tpu.memory_space<semaphore_mem>>)
    %dma_wait3A_19 = arith.constant 0 : i32
    %dma_wait3A_20 = arith.constant 0 : i32
    %dma_wait3A_21 = tpu.memref_slice %arg2[%dma_wait3A_19, %dma_wait3A_20] : memref<9728x1024xf32, #tpu.memory_space<hbm>> -> memref<9728x1024xf32, #tpu.memory_space<hbm>>
    tpu.wait_indirect_dma semaphore(%arg9 : memref<!tpu.dma_semaphore, #tpu.memory_space<semaphore_mem>>) src(%dma_wait3A_21 : memref<9728x1024xf32, #tpu.memory_space<hbm>>) dst(%arg8 : memref<32x1024xf32, #tpu.memory_space<vmem>>)
    %add3A_22 = arith.constant 32 : i32
    %add3A_23 = arith.addi %mul3A_2, %add3A_22 : i32
    "tpu.region"() ({
      %run_scoped3A = tpu.sem_alloc : memref<!tpu.dma_semaphore, #tpu.memory_space<semaphore_mem>>
      %dma_start3A_79 = arith.constant 0 : i32
      %dma_start3A_80 = tpu.memref_slice %arg4[%add3A_23, %dma_start3A_79] : memref<8192x1024xf32, #tpu.memory_space<hbm>> -> memref<32x1024xf32, #tpu.memory_space<hbm>>
      %dma_start3A_81 = arith.constant 0 : i32
      %dma_start3A_82 = tpu.memref_slice %arg4[%add3A_23, %dma_start3A_81] : memref<8192x1024xf32, #tpu.memory_space<hbm>> -> memref<32x1024xf32, #tpu.memory_space<hbm>>
      tpu.enqueue_dma source(%arg8 : memref<32x1024xf32, #tpu.memory_space<vmem>>) target(%dma_start3A_82 : memref<32x1024xf32, #tpu.memory_space<hbm>>) target_semaphore(%run_scoped3A : memref<!tpu.dma_semaphore, #tpu.memory_space<semaphore_mem>>)
      %dma_wait3A_83 = arith.constant 0 : i32
      %dma_wait3A_84 = tpu.memref_slice %arg4[%add3A_23, %dma_wait3A_83] : memref<8192x1024xf32, #tpu.memory_space<hbm>> -> memref<32x1024xf32, #tpu.memory_space<hbm>>
      %dma_wait3A_85 = arith.constant 0 : i32
      %dma_wait3A_86 = tpu.memref_slice %arg4[%add3A_23, %dma_wait3A_85] : memref<8192x1024xf32, #tpu.memory_space<hbm>> -> memref<32x1024xf32, #tpu.memory_space<hbm>>
      tpu.wait_dma2 semaphore(%run_scoped3A : memref<!tpu.dma_semaphore, #tpu.memory_space<semaphore_mem>>) src(%arg8 : memref<32x1024xf32, #tpu.memory_space<vmem>>) dst(%dma_wait3A_86 : memref<32x1024xf32, #tpu.memory_space<hbm>>)
      tpu.yield
    }) : () -> ()
    %add3A_24 = arith.constant 96 : i32
    %add3A_25 = arith.addi %mul3A_2, %add3A_24 : i32
    "tpu.region"() ({
      %run_scoped3A = tpu.sem_alloc : memref<!tpu.dma_semaphore, #tpu.memory_space<semaphore_mem>>
      %dma_start3A_79 = tpu.memref_slice %arg3[%add3A_25] : memref<8192xi32, #tpu.memory_space<hbm>> -> memref<32xi32, #tpu.memory_space<hbm>>
      %dma_start3A_80 = tpu.memref_slice %arg3[%add3A_25] : memref<8192xi32, #tpu.memory_space<hbm>> -> memref<32xi32, #tpu.memory_space<hbm>>
      tpu.enqueue_dma source(%dma_start3A_80 : memref<32xi32, #tpu.memory_space<hbm>>) target(%arg6 : memref<32xi32, #tpu.memory_space<vmem>>) target_semaphore(%run_scoped3A : memref<!tpu.dma_semaphore, #tpu.memory_space<semaphore_mem>>)
      %dma_wait3A_81 = tpu.memref_slice %arg3[%add3A_25] : memref<8192xi32, #tpu.memory_space<hbm>> -> memref<32xi32, #tpu.memory_space<hbm>>
      %dma_wait3A_82 = tpu.memref_slice %arg3[%add3A_25] : memref<8192xi32, #tpu.memory_space<hbm>> -> memref<32xi32, #tpu.memory_space<hbm>>
      tpu.wait_dma2 semaphore(%run_scoped3A : memref<!tpu.dma_semaphore, #tpu.memory_space<semaphore_mem>>) src(%dma_wait3A_82 : memref<32xi32, #tpu.memory_space<hbm>>) dst(%arg6 : memref<32xi32, #tpu.memory_space<vmem>>)
      tpu.yield
    }) : () -> ()
    %dma_start3A_26 = arith.constant 0 : i32
    %dma_start3A_27 = arith.constant 0 : i32
    %dma_start3A_28 = tpu.memref_slice %arg2[%dma_start3A_26, %dma_start3A_27] : memref<9728x1024xf32, #tpu.memory_space<hbm>> -> memref<9728x1024xf32, #tpu.memory_space<hbm>>
    tpu.enqueue_indirect_dma source(%dma_start3A_28 : memref<9728x1024xf32, #tpu.memory_space<hbm>>) target(%arg8 : memref<32x1024xf32, #tpu.memory_space<vmem>>) offsets(%arg6 : memref<32xi32, #tpu.memory_space<vmem>>) semaphore(%arg9 : memref<!tpu.dma_semaphore, #tpu.memory_space<semaphore_mem>>)
    %dma_wait3A_29 = arith.constant 0 : i32
    %dma_wait3A_30 = arith.constant 0 : i32
    %dma_wait3A_31 = tpu.memref_slice %arg2[%dma_wait3A_29, %dma_wait3A_30] : memref<9728x1024xf32, #tpu.memory_space<hbm>> -> memref<9728x1024xf32, #tpu.memory_space<hbm>>
    tpu.wait_indirect_dma semaphore(%arg9 : memref<!tpu.dma_semaphore, #tpu.memory_space<semaphore_mem>>) src(%dma_wait3A_31 : memref<9728x1024xf32, #tpu.memory_space<hbm>>) dst(%arg7 : memref<32x1024xf32, #tpu.memory_space<vmem>>)
    %add3A_32 = arith.constant 64 : i32
    %add3A_33 = arith.addi %mul3A_2, %add3A_32 : i32
    "tpu.region"() ({
      %run_scoped3A = tpu.sem_alloc : memref<!tpu.dma_semaphore, #tpu.memory_space<semaphore_mem>>
      %dma_start3A_79 = arith.constant 0 : i32
      %dma_start3A_80 = tpu.memref_slice %arg4[%add3A_33, %dma_start3A_79] : memref<8192x1024xf32, #tpu.memory_space<hbm>> -> memref<32x1024xf32, #tpu.memory_space<hbm>>
      %dma_start3A_81 = arith.constant 0 : i32
      %dma_start3A_82 = tpu.memref_slice %arg4[%add3A_33, %dma_start3A_81] : memref<8192x1024xf32, #tpu.memory_space<hbm>> -> memref<32x1024xf32, #tpu.memory_space<hbm>>
      tpu.enqueue_dma source(%arg7 : memref<32x1024xf32, #tpu.memory_space<vmem>>) target(%dma_start3A_82 : memref<32x1024xf32, #tpu.memory_space<hbm>>) target_semaphore(%run_scoped3A : memref<!tpu.dma_semaphore, #tpu.memory_space<semaphore_mem>>)
      %dma_wait3A_83 = arith.constant 0 : i32
      %dma_wait3A_84 = tpu.memref_slice %arg4[%add3A_33, %dma_wait3A_83] : memref<8192x1024xf32, #tpu.memory_space<hbm>> -> memref<32x1024xf32, #tpu.memory_space<hbm>>
      %dma_wait3A_85 = arith.constant 0 : i32
      %dma_wait3A_86 = tpu.memref_slice %arg4[%add3A_33, %dma_wait3A_85] : memref<8192x1024xf32, #tpu.memory_space<hbm>> -> memref<32x1024xf32, #tpu.memory_space<hbm>>
      tpu.wait_dma2 semaphore(%run_scoped3A : memref<!tpu.dma_semaphore, #tpu.memory_space<semaphore_mem>>) src(%arg7 : memref<32x1024xf32, #tpu.memory_space<vmem>>) dst(%dma_wait3A_86 : memref<32x1024xf32, #tpu.memory_space<hbm>>)
      tpu.yield
    }) : () -> ()
    %add3A_34 = arith.constant 128 : i32
    %add3A_35 = arith.addi %mul3A_2, %add3A_34 : i32
    "tpu.region"() ({
      %run_scoped3A = tpu.sem_alloc : memref<!tpu.dma_semaphore, #tpu.memory_space<semaphore_mem>>
      %dma_start3A_79 = tpu.memref_slice %arg3[%add3A_35] : memref<8192xi32, #tpu.memory_space<hbm>> -> memref<32xi32, #tpu.memory_space<hbm>>
      %dma_start3A_80 = tpu.memref_slice %arg3[%add3A_35] : memref<8192xi32, #tpu.memory_space<hbm>> -> memref<32xi32, #tpu.memory_space<hbm>>
      tpu.enqueue_dma source(%dma_start3A_80 : memref<32xi32, #tpu.memory_space<hbm>>) target(%arg5 : memref<32xi32, #tpu.memory_space<vmem>>) target_semaphore(%run_scoped3A : memref<!tpu.dma_semaphore, #tpu.memory_space<semaphore_mem>>)
      %dma_wait3A_81 = tpu.memref_slice %arg3[%add3A_35] : memref<8192xi32, #tpu.memory_space<hbm>> -> memref<32xi32, #tpu.memory_space<hbm>>
      %dma_wait3A_82 = tpu.memref_slice %arg3[%add3A_35] : memref<8192xi32, #tpu.memory_space<hbm>> -> memref<32xi32, #tpu.memory_space<hbm>>
      tpu.wait_dma2 semaphore(%run_scoped3A : memref<!tpu.dma_semaphore, #tpu.memory_space<semaphore_mem>>) src(%dma_wait3A_82 : memref<32xi32, #tpu.memory_space<hbm>>) dst(%arg5 : memref<32xi32, #tpu.memory_space<vmem>>)
      tpu.yield
    }) : () -> ()
    %dma_start3A_36 = arith.constant 0 : i32
    %dma_start3A_37 = arith.constant 0 : i32
    %dma_start3A_38 = tpu.memref_slice %arg2[%dma_start3A_36, %dma_start3A_37] : memref<9728x1024xf32, #tpu.memory_space<hbm>> -> memref<9728x1024xf32, #tpu.memory_space<hbm>>
    tpu.enqueue_indirect_dma source(%dma_start3A_38 : memref<9728x1024xf32, #tpu.memory_space<hbm>>) target(%arg7 : memref<32x1024xf32, #tpu.memory_space<vmem>>) offsets(%arg5 : memref<32xi32, #tpu.memory_space<vmem>>) semaphore(%arg9 : memref<!tpu.dma_semaphore, #tpu.memory_space<semaphore_mem>>)
    %dma_wait3A_39 = arith.constant 0 : i32
    %dma_wait3A_40 = arith.constant 0 : i32
    %dma_wait3A_41 = tpu.memref_slice %arg2[%dma_wait3A_39, %dma_wait3A_40] : memref<9728x1024xf32, #tpu.memory_space<hbm>> -> memref<9728x1024xf32, #tpu.memory_space<hbm>>
    tpu.wait_indirect_dma semaphore(%arg9 : memref<!tpu.dma_semaphore, #tpu.memory_space<semaphore_mem>>) src(%dma_wait3A_41 : memref<9728x1024xf32, #tpu.memory_space<hbm>>) dst(%arg8 : memref<32x1024xf32, #tpu.memory_space<vmem>>)
    %add3A_42 = arith.constant 96 : i32
    %add3A_43 = arith.addi %mul3A_2, %add3A_42 : i32
    "tpu.region"() ({
      %run_scoped3A = tpu.sem_alloc : memref<!tpu.dma_semaphore, #tpu.memory_space<semaphore_mem>>
      %dma_start3A_79 = arith.constant 0 : i32
      %dma_start3A_80 = tpu.memref_slice %arg4[%add3A_43, %dma_start3A_79] : memref<8192x1024xf32, #tpu.memory_space<hbm>> -> memref<32x1024xf32, #tpu.memory_space<hbm>>
      %dma_start3A_81 = arith.constant 0 : i32
      %dma_start3A_82 = tpu.memref_slice %arg4[%add3A_43, %dma_start3A_81] : memref<8192x1024xf32, #tpu.memory_space<hbm>> -> memref<32x1024xf32, #tpu.memory_space<hbm>>
      tpu.enqueue_dma source(%arg8 : memref<32x1024xf32, #tpu.memory_space<vmem>>) target(%dma_start3A_82 : memref<32x1024xf32, #tpu.memory_space<hbm>>) target_semaphore(%run_scoped3A : memref<!tpu.dma_semaphore, #tpu.memory_space<semaphore_mem>>)
      %dma_wait3A_83 = arith.constant 0 : i32
      %dma_wait3A_84 = tpu.memref_slice %arg4[%add3A_43, %dma_wait3A_83] : memref<8192x1024xf32, #tpu.memory_space<hbm>> -> memref<32x1024xf32, #tpu.memory_space<hbm>>
      %dma_wait3A_85 = arith.constant 0 : i32
      %dma_wait3A_86 = tpu.memref_slice %arg4[%add3A_43, %dma_wait3A_85] : memref<8192x1024xf32, #tpu.memory_space<hbm>> -> memref<32x1024xf32, #tpu.memory_space<hbm>>
      tpu.wait_dma2 semaphore(%run_scoped3A : memref<!tpu.dma_semaphore, #tpu.memory_space<semaphore_mem>>) src(%arg8 : memref<32x1024xf32, #tpu.memory_space<vmem>>) dst(%dma_wait3A_86 : memref<32x1024xf32, #tpu.memory_space<hbm>>)
      tpu.yield
    }) : () -> ()
    %add3A_44 = arith.constant 160 : i32
    %add3A_45 = arith.addi %mul3A_2, %add3A_44 : i32
    "tpu.region"() ({
      %run_scoped3A = tpu.sem_alloc : memref<!tpu.dma_semaphore, #tpu.memory_space<semaphore_mem>>
      %dma_start3A_79 = tpu.memref_slice %arg3[%add3A_45] : memref<8192xi32, #tpu.memory_space<hbm>> -> memref<32xi32, #tpu.memory_space<hbm>>
      %dma_start3A_80 = tpu.memref_slice %arg3[%add3A_45] : memref<8192xi32, #tpu.memory_space<hbm>> -> memref<32xi32, #tpu.memory_space<hbm>>
      tpu.enqueue_dma source(%dma_start3A_80 : memref<32xi32, #tpu.memory_space<hbm>>) target(%arg6 : memref<32xi32, #tpu.memory_space<vmem>>) target_semaphore(%run_scoped3A : memref<!tpu.dma_semaphore, #tpu.memory_space<semaphore_mem>>)
      %dma_wait3A_81 = tpu.memref_slice %arg3[%add3A_45] : memref<8192xi32, #tpu.memory_space<hbm>> -> memref<32xi32, #tpu.memory_space<hbm>>
      %dma_wait3A_82 = tpu.memref_slice %arg3[%add3A_45] : memref<8192xi32, #tpu.memory_space<hbm>> -> memref<32xi32, #tpu.memory_space<hbm>>
      tpu.wait_dma2 semaphore(%run_scoped3A : memref<!tpu.dma_semaphore, #tpu.memory_space<semaphore_mem>>) src(%dma_wait3A_82 : memref<32xi32, #tpu.memory_space<hbm>>) dst(%arg6 : memref<32xi32, #tpu.memory_space<vmem>>)
      tpu.yield
    }) : () -> ()
    %dma_start3A_46 = arith.constant 0 : i32
    %dma_start3A_47 = arith.constant 0 : i32
    %dma_start3A_48 = tpu.memref_slice %arg2[%dma_start3A_46, %dma_start3A_47] : memref<9728x1024xf32, #tpu.memory_space<hbm>> -> memref<9728x1024xf32, #tpu.memory_space<hbm>>
    tpu.enqueue_indirect_dma source(%dma_start3A_48 : memref<9728x1024xf32, #tpu.memory_space<hbm>>) target(%arg8 : memref<32x1024xf32, #tpu.memory_space<vmem>>) offsets(%arg6 : memref<32xi32, #tpu.memory_space<vmem>>) semaphore(%arg9 : memref<!tpu.dma_semaphore, #tpu.memory_space<semaphore_mem>>)
    %dma_wait3A_49 = arith.constant 0 : i32
    %dma_wait3A_50 = arith.constant 0 : i32
    %dma_wait3A_51 = tpu.memref_slice %arg2[%dma_wait3A_49, %dma_wait3A_50] : memref<9728x1024xf32, #tpu.memory_space<hbm>> -> memref<9728x1024xf32, #tpu.memory_space<hbm>>
    tpu.wait_indirect_dma semaphore(%arg9 : memref<!tpu.dma_semaphore, #tpu.memory_space<semaphore_mem>>) src(%dma_wait3A_51 : memref<9728x1024xf32, #tpu.memory_space<hbm>>) dst(%arg7 : memref<32x1024xf32, #tpu.memory_space<vmem>>)
    %add3A_52 = arith.constant 128 : i32
    %add3A_53 = arith.addi %mul3A_2, %add3A_52 : i32
    "tpu.region"() ({
      %run_scoped3A = tpu.sem_alloc : memref<!tpu.dma_semaphore, #tpu.memory_space<semaphore_mem>>
      %dma_start3A_79 = arith.constant 0 : i32
      %dma_start3A_80 = tpu.memref_slice %arg4[%add3A_53, %dma_start3A_79] : memref<8192x1024xf32, #tpu.memory_space<hbm>> -> memref<32x1024xf32, #tpu.memory_space<hbm>>
      %dma_start3A_81 = arith.constant 0 : i32
      %dma_start3A_82 = tpu.memref_slice %arg4[%add3A_53, %dma_start3A_81] : memref<8192x1024xf32, #tpu.memory_space<hbm>> -> memref<32x1024xf32, #tpu.memory_space<hbm>>
      tpu.enqueue_dma source(%arg7 : memref<32x1024xf32, #tpu.memory_space<vmem>>) target(%dma_start3A_82 : memref<32x1024xf32, #tpu.memory_space<hbm>>) target_semaphore(%run_scoped3A : memref<!tpu.dma_semaphore, #tpu.memory_space<semaphore_mem>>)
      %dma_wait3A_83 = arith.constant 0 : i32
      %dma_wait3A_84 = tpu.memref_slice %arg4[%add3A_53, %dma_wait3A_83] : memref<8192x1024xf32, #tpu.memory_space<hbm>> -> memref<32x1024xf32, #tpu.memory_space<hbm>>
      %dma_wait3A_85 = arith.constant 0 : i32
      %dma_wait3A_86 = tpu.memref_slice %arg4[%add3A_53, %dma_wait3A_85] : memref<8192x1024xf32, #tpu.memory_space<hbm>> -> memref<32x1024xf32, #tpu.memory_space<hbm>>
      tpu.wait_dma2 semaphore(%run_scoped3A : memref<!tpu.dma_semaphore, #tpu.memory_space<semaphore_mem>>) src(%arg7 : memref<32x1024xf32, #tpu.memory_space<vmem>>) dst(%dma_wait3A_86 : memref<32x1024xf32, #tpu.memory_space<hbm>>)
      tpu.yield
    }) : () -> ()
    %add3A_54 = arith.constant 192 : i32
    %add3A_55 = arith.addi %mul3A_2, %add3A_54 : i32
    "tpu.region"() ({
      %run_scoped3A = tpu.sem_alloc : memref<!tpu.dma_semaphore, #tpu.memory_space<semaphore_mem>>
      %dma_start3A_79 = tpu.memref_slice %arg3[%add3A_55] : memref<8192xi32, #tpu.memory_space<hbm>> -> memref<32xi32, #tpu.memory_space<hbm>>
      %dma_start3A_80 = tpu.memref_slice %arg3[%add3A_55] : memref<8192xi32, #tpu.memory_space<hbm>> -> memref<32xi32, #tpu.memory_space<hbm>>
      tpu.enqueue_dma source(%dma_start3A_80 : memref<32xi32, #tpu.memory_space<hbm>>) target(%arg5 : memref<32xi32, #tpu.memory_space<vmem>>) target_semaphore(%run_scoped3A : memref<!tpu.dma_semaphore, #tpu.memory_space<semaphore_mem>>)
      %dma_wait3A_81 = tpu.memref_slice %arg3[%add3A_55] : memref<8192xi32, #tpu.memory_space<hbm>> -> memref<32xi32, #tpu.memory_space<hbm>>
      %dma_wait3A_82 = tpu.memref_slice %arg3[%add3A_55] : memref<8192xi32, #tpu.memory_space<hbm>> -> memref<32xi32, #tpu.memory_space<hbm>>
      tpu.wait_dma2 semaphore(%run_scoped3A : memref<!tpu.dma_semaphore, #tpu.memory_space<semaphore_mem>>) src(%dma_wait3A_82 : memref<32xi32, #tpu.memory_space<hbm>>) dst(%arg5 : memref<32xi32, #tpu.memory_space<vmem>>)
      tpu.yield
    }) : () -> ()
    %dma_start3A_56 = arith.constant 0 : i32
    %dma_start3A_57 = arith.constant 0 : i32
    %dma_start3A_58 = tpu.memref_slice %arg2[%dma_start3A_56, %dma_start3A_57] : memref<9728x1024xf32, #tpu.memory_space<hbm>> -> memref<9728x1024xf32, #tpu.memory_space<hbm>>
    tpu.enqueue_indirect_dma source(%dma_start3A_58 : memref<9728x1024xf32, #tpu.memory_space<hbm>>) target(%arg7 : memref<32x1024xf32, #tpu.memory_space<vmem>>) offsets(%arg5 : memref<32xi32, #tpu.memory_space<vmem>>) semaphore(%arg9 : memref<!tpu.dma_semaphore, #tpu.memory_space<semaphore_mem>>)
    %dma_wait3A_59 = arith.constant 0 : i32
    %dma_wait3A_60 = arith.constant 0 : i32
    %dma_wait3A_61 = tpu.memref_slice %arg2[%dma_wait3A_59, %dma_wait3A_60] : memref<9728x1024xf32, #tpu.memory_space<hbm>> -> memref<9728x1024xf32, #tpu.memory_space<hbm>>
    tpu.wait_indirect_dma semaphore(%arg9 : memref<!tpu.dma_semaphore, #tpu.memory_space<semaphore_mem>>) src(%dma_wait3A_61 : memref<9728x1024xf32, #tpu.memory_space<hbm>>) dst(%arg8 : memref<32x1024xf32, #tpu.memory_space<vmem>>)
    %add3A_62 = arith.constant 160 : i32
    %add3A_63 = arith.addi %mul3A_2, %add3A_62 : i32
    "tpu.region"() ({
      %run_scoped3A = tpu.sem_alloc : memref<!tpu.dma_semaphore, #tpu.memory_space<semaphore_mem>>
      %dma_start3A_79 = arith.constant 0 : i32
      %dma_start3A_80 = tpu.memref_slice %arg4[%add3A_63, %dma_start3A_79] : memref<8192x1024xf32, #tpu.memory_space<hbm>> -> memref<32x1024xf32, #tpu.memory_space<hbm>>
      %dma_start3A_81 = arith.constant 0 : i32
      %dma_start3A_82 = tpu.memref_slice %arg4[%add3A_63, %dma_start3A_81] : memref<8192x1024xf32, #tpu.memory_space<hbm>> -> memref<32x1024xf32, #tpu.memory_space<hbm>>
      tpu.enqueue_dma source(%arg8 : memref<32x1024xf32, #tpu.memory_space<vmem>>) target(%dma_start3A_82 : memref<32x1024xf32, #tpu.memory_space<hbm>>) target_semaphore(%run_scoped3A : memref<!tpu.dma_semaphore, #tpu.memory_space<semaphore_mem>>)
      %dma_wait3A_83 = arith.constant 0 : i32
      %dma_wait3A_84 = tpu.memref_slice %arg4[%add3A_63, %dma_wait3A_83] : memref<8192x1024xf32, #tpu.memory_space<hbm>> -> memref<32x1024xf32, #tpu.memory_space<hbm>>
      %dma_wait3A_85 = arith.constant 0 : i32
      %dma_wait3A_86 = tpu.memref_slice %arg4[%add3A_63, %dma_wait3A_85] : memref<8192x1024xf32, #tpu.memory_space<hbm>> -> memref<32x1024xf32, #tpu.memory_space<hbm>>
      tpu.wait_dma2 semaphore(%run_scoped3A : memref<!tpu.dma_semaphore, #tpu.memory_space<semaphore_mem>>) src(%arg8 : memref<32x1024xf32, #tpu.memory_space<vmem>>) dst(%dma_wait3A_86 : memref<32x1024xf32, #tpu.memory_space<hbm>>)
      tpu.yield
    }) : () -> ()
    %add3A_64 = arith.constant 224 : i32
    %add3A_65 = arith.addi %mul3A_2, %add3A_64 : i32
    "tpu.region"() ({
      %run_scoped3A = tpu.sem_alloc : memref<!tpu.dma_semaphore, #tpu.memory_space<semaphore_mem>>
      %dma_start3A_79 = tpu.memref_slice %arg3[%add3A_65] : memref<8192xi32, #tpu.memory_space<hbm>> -> memref<32xi32, #tpu.memory_space<hbm>>
      %dma_start3A_80 = tpu.memref_slice %arg3[%add3A_65] : memref<8192xi32, #tpu.memory_space<hbm>> -> memref<32xi32, #tpu.memory_space<hbm>>
      tpu.enqueue_dma source(%dma_start3A_80 : memref<32xi32, #tpu.memory_space<hbm>>) target(%arg6 : memref<32xi32, #tpu.memory_space<vmem>>) target_semaphore(%run_scoped3A : memref<!tpu.dma_semaphore, #tpu.memory_space<semaphore_mem>>)
      %dma_wait3A_81 = tpu.memref_slice %arg3[%add3A_65] : memref<8192xi32, #tpu.memory_space<hbm>> -> memref<32xi32, #tpu.memory_space<hbm>>
      %dma_wait3A_82 = tpu.memref_slice %arg3[%add3A_65] : memref<8192xi32, #tpu.memory_space<hbm>> -> memref<32xi32, #tpu.memory_space<hbm>>
      tpu.wait_dma2 semaphore(%run_scoped3A : memref<!tpu.dma_semaphore, #tpu.memory_space<semaphore_mem>>) src(%dma_wait3A_82 : memref<32xi32, #tpu.memory_space<hbm>>) dst(%arg6 : memref<32xi32, #tpu.memory_space<vmem>>)
      tpu.yield
    }) : () -> ()
    %dma_start3A_66 = arith.constant 0 : i32
    %dma_start3A_67 = arith.constant 0 : i32
    %dma_start3A_68 = tpu.memref_slice %arg2[%dma_start3A_66, %dma_start3A_67] : memref<9728x1024xf32, #tpu.memory_space<hbm>> -> memref<9728x1024xf32, #tpu.memory_space<hbm>>
    tpu.enqueue_indirect_dma source(%dma_start3A_68 : memref<9728x1024xf32, #tpu.memory_space<hbm>>) target(%arg8 : memref<32x1024xf32, #tpu.memory_space<vmem>>) offsets(%arg6 : memref<32xi32, #tpu.memory_space<vmem>>) semaphore(%arg9 : memref<!tpu.dma_semaphore, #tpu.memory_space<semaphore_mem>>)
    %dma_wait3A_69 = arith.constant 0 : i32
    %dma_wait3A_70 = arith.constant 0 : i32
    %dma_wait3A_71 = tpu.memref_slice %arg2[%dma_wait3A_69, %dma_wait3A_70] : memref<9728x1024xf32, #tpu.memory_space<hbm>> -> memref<9728x1024xf32, #tpu.memory_space<hbm>>
    tpu.wait_indirect_dma semaphore(%arg9 : memref<!tpu.dma_semaphore, #tpu.memory_space<semaphore_mem>>) src(%dma_wait3A_71 : memref<9728x1024xf32, #tpu.memory_space<hbm>>) dst(%arg7 : memref<32x1024xf32, #tpu.memory_space<vmem>>)
    %add3A_72 = arith.constant 192 : i32
    %add3A_73 = arith.addi %mul3A_2, %add3A_72 : i32
    "tpu.region"() ({
      %run_scoped3A = tpu.sem_alloc : memref<!tpu.dma_semaphore, #tpu.memory_space<semaphore_mem>>
      %dma_start3A_79 = arith.constant 0 : i32
      %dma_start3A_80 = tpu.memref_slice %arg4[%add3A_73, %dma_start3A_79] : memref<8192x1024xf32, #tpu.memory_space<hbm>> -> memref<32x1024xf32, #tpu.memory_space<hbm>>
      %dma_start3A_81 = arith.constant 0 : i32
      %dma_start3A_82 = tpu.memref_slice %arg4[%add3A_73, %dma_start3A_81] : memref<8192x1024xf32, #tpu.memory_space<hbm>> -> memref<32x1024xf32, #tpu.memory_space<hbm>>
      tpu.enqueue_dma source(%arg7 : memref<32x1024xf32, #tpu.memory_space<vmem>>) target(%dma_start3A_82 : memref<32x1024xf32, #tpu.memory_space<hbm>>) target_semaphore(%run_scoped3A : memref<!tpu.dma_semaphore, #tpu.memory_space<semaphore_mem>>)
      %dma_wait3A_83 = arith.constant 0 : i32
      %dma_wait3A_84 = tpu.memref_slice %arg4[%add3A_73, %dma_wait3A_83] : memref<8192x1024xf32, #tpu.memory_space<hbm>> -> memref<32x1024xf32, #tpu.memory_space<hbm>>
      %dma_wait3A_85 = arith.constant 0 : i32
      %dma_wait3A_86 = tpu.memref_slice %arg4[%add3A_73, %dma_wait3A_85] : memref<8192x1024xf32, #tpu.memory_space<hbm>> -> memref<32x1024xf32, #tpu.memory_space<hbm>>
      tpu.wait_dma2 semaphore(%run_scoped3A : memref<!tpu.dma_semaphore, #tpu.memory_space<semaphore_mem>>) src(%arg7 : memref<32x1024xf32, #tpu.memory_space<vmem>>) dst(%dma_wait3A_86 : memref<32x1024xf32, #tpu.memory_space<hbm>>)
      tpu.yield
    }) : () -> ()
    %dma_wait3A_74 = arith.constant 0 : i32
    %dma_wait3A_75 = arith.constant 0 : i32
    %dma_wait3A_76 = tpu.memref_slice %arg2[%dma_wait3A_74, %dma_wait3A_75] : memref<9728x1024xf32, #tpu.memory_space<hbm>> -> memref<9728x1024xf32, #tpu.memory_space<hbm>>
    tpu.wait_indirect_dma semaphore(%arg9 : memref<!tpu.dma_semaphore, #tpu.memory_space<semaphore_mem>>) src(%dma_wait3A_76 : memref<9728x1024xf32, #tpu.memory_space<hbm>>) dst(%arg8 : memref<32x1024xf32, #tpu.memory_space<vmem>>)
    %add3A_77 = arith.constant 224 : i32
    %add3A_78 = arith.addi %mul3A_2, %add3A_77 : i32
    "tpu.region"() ({
      %run_scoped3A = tpu.sem_alloc : memref<!tpu.dma_semaphore, #tpu.memory_space<semaphore_mem>>
      %dma_start3A_79 = arith.constant 0 : i32
      %dma_start3A_80 = tpu.memref_slice %arg4[%add3A_78, %dma_start3A_79] : memref<8192x1024xf32, #tpu.memory_space<hbm>> -> memref<32x1024xf32, #tpu.memory_space<hbm>>
      %dma_start3A_81 = arith.constant 0 : i32
      %dma_start3A_82 = tpu.memref_slice %arg4[%add3A_78, %dma_start3A_81] : memref<8192x1024xf32, #tpu.memory_space<hbm>> -> memref<32x1024xf32, #tpu.memory_space<hbm>>
      tpu.enqueue_dma source(%arg8 : memref<32x1024xf32, #tpu.memory_space<vmem>>) target(%dma_start3A_82 : memref<32x1024xf32, #tpu.memory_space<hbm>>) target_semaphore(%run_scoped3A : memref<!tpu.dma_semaphore, #tpu.memory_space<semaphore_mem>>)
      %dma_wait3A_83 = arith.constant 0 : i32
      %dma_wait3A_84 = tpu.memref_slice %arg4[%add3A_78, %dma_wait3A_83] : memref<8192x1024xf32, #tpu.memory_space<hbm>> -> memref<32x1024xf32, #tpu.memory_space<hbm>>
      %dma_wait3A_85 = arith.constant 0 : i32
      %dma_wait3A_86 = tpu.memref_slice %arg4[%add3A_78, %dma_wait3A_85] : memref<8192x1024xf32, #tpu.memory_space<hbm>> -> memref<32x1024xf32, #tpu.memory_space<hbm>>
      tpu.wait_dma2 semaphore(%run_scoped3A : memref<!tpu.dma_semaphore, #tpu.memory_space<semaphore_mem>>) src(%arg8 : memref<32x1024xf32, #tpu.memory_space<vmem>>) dst(%dma_wait3A_86 : memref<32x1024xf32, #tpu.memory_space<hbm>>)
      tpu.yield
    }) : () -> ()
    return
  }
}

#map = affine_map<(d0, d1) -> (0, 0)>
#map1 = affine_map<(d0, d1) -> (0)>
module attributes {stable_mosaic.version = 14 : i64} {
  func.func @_scatter_x(%arg0: i32, %arg1: i32, %arg2: memref<8192x1024xf32, #tpu.memory_space<hbm>>, %arg3: memref<8192xi32, #tpu.memory_space<hbm>>, %arg4: memref<9728x1024xf32, #tpu.memory_space<hbm>>, %arg5: memref<32xi32, #tpu.memory_space<vmem>>, %arg6: memref<32xi32, #tpu.memory_space<vmem>>, %arg7: memref<32x1024xf32, #tpu.memory_space<vmem>>, %arg8: memref<32x1024xf32, #tpu.memory_space<vmem>>, %arg9: memref<!tpu.dma_semaphore, #tpu.memory_space<semaphore_mem>>) attributes {dimension_semantics = [#tpu.dimension_semantics<core_parallel>, #tpu.dimension_semantics<subcore_parallel>], iteration_bounds = array<i64: 2, 16>, scalar_prefetch = 0 : i64, scratch_operands = 5 : i64, tpu.core_type = #tpu.core_type<sc_vector_subcore>, window_params = [{transform_indices = #map}, {transform_indices = #map1}, {transform_indices = #map}]} {
    %mul3A = arith.constant 2 : i32
    %mul3A_0 = arith.muli %arg1, %mul3A : i32
    %add3A = arith.addi %mul3A_0, %arg0 : i32
    %mul3A_1 = arith.constant 256 : i32
    %mul3A_2 = arith.muli %add3A, %mul3A_1 : i32
    "tpu.region"() ({
      %run_scoped3A = tpu.sem_alloc : memref<!tpu.dma_semaphore, #tpu.memory_space<semaphore_mem>>
      %dma_start3A_63 = tpu.memref_slice %arg3[%mul3A_2] : memref<8192xi32, #tpu.memory_space<hbm>> -> memref<32xi32, #tpu.memory_space<hbm>>
      %dma_start3A_64 = tpu.memref_slice %arg3[%mul3A_2] : memref<8192xi32, #tpu.memory_space<hbm>> -> memref<32xi32, #tpu.memory_space<hbm>>
      tpu.enqueue_dma source(%dma_start3A_64 : memref<32xi32, #tpu.memory_space<hbm>>) target(%arg5 : memref<32xi32, #tpu.memory_space<vmem>>) target_semaphore(%run_scoped3A : memref<!tpu.dma_semaphore, #tpu.memory_space<semaphore_mem>>)
      %dma_wait3A_65 = tpu.memref_slice %arg3[%mul3A_2] : memref<8192xi32, #tpu.memory_space<hbm>> -> memref<32xi32, #tpu.memory_space<hbm>>
      %dma_wait3A_66 = tpu.memref_slice %arg3[%mul3A_2] : memref<8192xi32, #tpu.memory_space<hbm>> -> memref<32xi32, #tpu.memory_space<hbm>>
      tpu.wait_dma2 semaphore(%run_scoped3A : memref<!tpu.dma_semaphore, #tpu.memory_space<semaphore_mem>>) src(%dma_wait3A_66 : memref<32xi32, #tpu.memory_space<hbm>>) dst(%arg5 : memref<32xi32, #tpu.memory_space<vmem>>)
      tpu.yield
    }) : () -> ()
    "tpu.region"() ({
      %run_scoped3A = tpu.sem_alloc : memref<!tpu.dma_semaphore, #tpu.memory_space<semaphore_mem>>
      %dma_start3A_63 = arith.constant 0 : i32
      %dma_start3A_64 = tpu.memref_slice %arg2[%mul3A_2, %dma_start3A_63] : memref<8192x1024xf32, #tpu.memory_space<hbm>> -> memref<32x1024xf32, #tpu.memory_space<hbm>>
      %dma_start3A_65 = arith.constant 0 : i32
      %dma_start3A_66 = tpu.memref_slice %arg2[%mul3A_2, %dma_start3A_65] : memref<8192x1024xf32, #tpu.memory_space<hbm>> -> memref<32x1024xf32, #tpu.memory_space<hbm>>
      tpu.enqueue_dma source(%dma_start3A_66 : memref<32x1024xf32, #tpu.memory_space<hbm>>) target(%arg7 : memref<32x1024xf32, #tpu.memory_space<vmem>>) target_semaphore(%run_scoped3A : memref<!tpu.dma_semaphore, #tpu.memory_space<semaphore_mem>>)
      %dma_wait3A_67 = arith.constant 0 : i32
      %dma_wait3A_68 = tpu.memref_slice %arg2[%mul3A_2, %dma_wait3A_67] : memref<8192x1024xf32, #tpu.memory_space<hbm>> -> memref<32x1024xf32, #tpu.memory_space<hbm>>
      %dma_wait3A_69 = arith.constant 0 : i32
      %dma_wait3A_70 = tpu.memref_slice %arg2[%mul3A_2, %dma_wait3A_69] : memref<8192x1024xf32, #tpu.memory_space<hbm>> -> memref<32x1024xf32, #tpu.memory_space<hbm>>
      tpu.wait_dma2 semaphore(%run_scoped3A : memref<!tpu.dma_semaphore, #tpu.memory_space<semaphore_mem>>) src(%dma_wait3A_70 : memref<32x1024xf32, #tpu.memory_space<hbm>>) dst(%arg7 : memref<32x1024xf32, #tpu.memory_space<vmem>>)
      tpu.yield
    }) : () -> ()
    %dma_start3A = arith.constant 0 : i32
    %dma_start3A_3 = arith.constant 0 : i32
    %dma_start3A_4 = tpu.memref_slice %arg4[%dma_start3A, %dma_start3A_3] : memref<9728x1024xf32, #tpu.memory_space<hbm>> -> memref<9728x1024xf32, #tpu.memory_space<hbm>>
    tpu.enqueue_indirect_dma source(%arg7 : memref<32x1024xf32, #tpu.memory_space<vmem>>) target(%dma_start3A_4 : memref<9728x1024xf32, #tpu.memory_space<hbm>>) offsets(%arg5 : memref<32xi32, #tpu.memory_space<vmem>>) semaphore(%arg9 : memref<!tpu.dma_semaphore, #tpu.memory_space<semaphore_mem>>)
    %add3A_5 = arith.constant 32 : i32
    %add3A_6 = arith.addi %mul3A_2, %add3A_5 : i32
    "tpu.region"() ({
      %run_scoped3A = tpu.sem_alloc : memref<!tpu.dma_semaphore, #tpu.memory_space<semaphore_mem>>
      %dma_start3A_63 = tpu.memref_slice %arg3[%add3A_6] : memref<8192xi32, #tpu.memory_space<hbm>> -> memref<32xi32, #tpu.memory_space<hbm>>
      %dma_start3A_64 = tpu.memref_slice %arg3[%add3A_6] : memref<8192xi32, #tpu.memory_space<hbm>> -> memref<32xi32, #tpu.memory_space<hbm>>
      tpu.enqueue_dma source(%dma_start3A_64 : memref<32xi32, #tpu.memory_space<hbm>>) target(%arg6 : memref<32xi32, #tpu.memory_space<vmem>>) target_semaphore(%run_scoped3A : memref<!tpu.dma_semaphore, #tpu.memory_space<semaphore_mem>>)
      %dma_wait3A_65 = tpu.memref_slice %arg3[%add3A_6] : memref<8192xi32, #tpu.memory_space<hbm>> -> memref<32xi32, #tpu.memory_space<hbm>>
      %dma_wait3A_66 = tpu.memref_slice %arg3[%add3A_6] : memref<8192xi32, #tpu.memory_space<hbm>> -> memref<32xi32, #tpu.memory_space<hbm>>
      tpu.wait_dma2 semaphore(%run_scoped3A : memref<!tpu.dma_semaphore, #tpu.memory_space<semaphore_mem>>) src(%dma_wait3A_66 : memref<32xi32, #tpu.memory_space<hbm>>) dst(%arg6 : memref<32xi32, #tpu.memory_space<vmem>>)
      tpu.yield
    }) : () -> ()
    "tpu.region"() ({
      %run_scoped3A = tpu.sem_alloc : memref<!tpu.dma_semaphore, #tpu.memory_space<semaphore_mem>>
      %dma_start3A_63 = arith.constant 0 : i32
      %dma_start3A_64 = tpu.memref_slice %arg2[%add3A_6, %dma_start3A_63] : memref<8192x1024xf32, #tpu.memory_space<hbm>> -> memref<32x1024xf32, #tpu.memory_space<hbm>>
      %dma_start3A_65 = arith.constant 0 : i32
      %dma_start3A_66 = tpu.memref_slice %arg2[%add3A_6, %dma_start3A_65] : memref<8192x1024xf32, #tpu.memory_space<hbm>> -> memref<32x1024xf32, #tpu.memory_space<hbm>>
      tpu.enqueue_dma source(%dma_start3A_66 : memref<32x1024xf32, #tpu.memory_space<hbm>>) target(%arg8 : memref<32x1024xf32, #tpu.memory_space<vmem>>) target_semaphore(%run_scoped3A : memref<!tpu.dma_semaphore, #tpu.memory_space<semaphore_mem>>)
      %dma_wait3A_67 = arith.constant 0 : i32
      %dma_wait3A_68 = tpu.memref_slice %arg2[%add3A_6, %dma_wait3A_67] : memref<8192x1024xf32, #tpu.memory_space<hbm>> -> memref<32x1024xf32, #tpu.memory_space<hbm>>
      %dma_wait3A_69 = arith.constant 0 : i32
      %dma_wait3A_70 = tpu.memref_slice %arg2[%add3A_6, %dma_wait3A_69] : memref<8192x1024xf32, #tpu.memory_space<hbm>> -> memref<32x1024xf32, #tpu.memory_space<hbm>>
      tpu.wait_dma2 semaphore(%run_scoped3A : memref<!tpu.dma_semaphore, #tpu.memory_space<semaphore_mem>>) src(%dma_wait3A_70 : memref<32x1024xf32, #tpu.memory_space<hbm>>) dst(%arg8 : memref<32x1024xf32, #tpu.memory_space<vmem>>)
      tpu.yield
    }) : () -> ()
    %dma_start3A_7 = arith.constant 0 : i32
    %dma_start3A_8 = arith.constant 0 : i32
    %dma_start3A_9 = tpu.memref_slice %arg4[%dma_start3A_7, %dma_start3A_8] : memref<9728x1024xf32, #tpu.memory_space<hbm>> -> memref<9728x1024xf32, #tpu.memory_space<hbm>>
    tpu.enqueue_indirect_dma source(%arg8 : memref<32x1024xf32, #tpu.memory_space<vmem>>) target(%dma_start3A_9 : memref<9728x1024xf32, #tpu.memory_space<hbm>>) offsets(%arg6 : memref<32xi32, #tpu.memory_space<vmem>>) semaphore(%arg9 : memref<!tpu.dma_semaphore, #tpu.memory_space<semaphore_mem>>)
    %dma_wait3A = arith.constant 0 : i32
    %dma_wait3A_10 = arith.constant 0 : i32
    %dma_wait3A_11 = tpu.memref_slice %arg4[%dma_wait3A, %dma_wait3A_10] : memref<9728x1024xf32, #tpu.memory_space<hbm>> -> memref<9728x1024xf32, #tpu.memory_space<hbm>>
    tpu.wait_indirect_dma semaphore(%arg9 : memref<!tpu.dma_semaphore, #tpu.memory_space<semaphore_mem>>) src(%arg7 : memref<32x1024xf32, #tpu.memory_space<vmem>>) dst(%dma_wait3A_11 : memref<9728x1024xf32, #tpu.memory_space<hbm>>)
    %add3A_12 = arith.constant 64 : i32
    %add3A_13 = arith.addi %mul3A_2, %add3A_12 : i32
    "tpu.region"() ({
      %run_scoped3A = tpu.sem_alloc : memref<!tpu.dma_semaphore, #tpu.memory_space<semaphore_mem>>
      %dma_start3A_63 = tpu.memref_slice %arg3[%add3A_13] : memref<8192xi32, #tpu.memory_space<hbm>> -> memref<32xi32, #tpu.memory_space<hbm>>
      %dma_start3A_64 = tpu.memref_slice %arg3[%add3A_13] : memref<8192xi32, #tpu.memory_space<hbm>> -> memref<32xi32, #tpu.memory_space<hbm>>
      tpu.enqueue_dma source(%dma_start3A_64 : memref<32xi32, #tpu.memory_space<hbm>>) target(%arg5 : memref<32xi32, #tpu.memory_space<vmem>>) target_semaphore(%run_scoped3A : memref<!tpu.dma_semaphore, #tpu.memory_space<semaphore_mem>>)
      %dma_wait3A_65 = tpu.memref_slice %arg3[%add3A_13] : memref<8192xi32, #tpu.memory_space<hbm>> -> memref<32xi32, #tpu.memory_space<hbm>>
      %dma_wait3A_66 = tpu.memref_slice %arg3[%add3A_13] : memref<8192xi32, #tpu.memory_space<hbm>> -> memref<32xi32, #tpu.memory_space<hbm>>
      tpu.wait_dma2 semaphore(%run_scoped3A : memref<!tpu.dma_semaphore, #tpu.memory_space<semaphore_mem>>) src(%dma_wait3A_66 : memref<32xi32, #tpu.memory_space<hbm>>) dst(%arg5 : memref<32xi32, #tpu.memory_space<vmem>>)
      tpu.yield
    }) : () -> ()
    "tpu.region"() ({
      %run_scoped3A = tpu.sem_alloc : memref<!tpu.dma_semaphore, #tpu.memory_space<semaphore_mem>>
      %dma_start3A_63 = arith.constant 0 : i32
      %dma_start3A_64 = tpu.memref_slice %arg2[%add3A_13, %dma_start3A_63] : memref<8192x1024xf32, #tpu.memory_space<hbm>> -> memref<32x1024xf32, #tpu.memory_space<hbm>>
      %dma_start3A_65 = arith.constant 0 : i32
      %dma_start3A_66 = tpu.memref_slice %arg2[%add3A_13, %dma_start3A_65] : memref<8192x1024xf32, #tpu.memory_space<hbm>> -> memref<32x1024xf32, #tpu.memory_space<hbm>>
      tpu.enqueue_dma source(%dma_start3A_66 : memref<32x1024xf32, #tpu.memory_space<hbm>>) target(%arg7 : memref<32x1024xf32, #tpu.memory_space<vmem>>) target_semaphore(%run_scoped3A : memref<!tpu.dma_semaphore, #tpu.memory_space<semaphore_mem>>)
      %dma_wait3A_67 = arith.constant 0 : i32
      %dma_wait3A_68 = tpu.memref_slice %arg2[%add3A_13, %dma_wait3A_67] : memref<8192x1024xf32, #tpu.memory_space<hbm>> -> memref<32x1024xf32, #tpu.memory_space<hbm>>
      %dma_wait3A_69 = arith.constant 0 : i32
      %dma_wait3A_70 = tpu.memref_slice %arg2[%add3A_13, %dma_wait3A_69] : memref<8192x1024xf32, #tpu.memory_space<hbm>> -> memref<32x1024xf32, #tpu.memory_space<hbm>>
      tpu.wait_dma2 semaphore(%run_scoped3A : memref<!tpu.dma_semaphore, #tpu.memory_space<semaphore_mem>>) src(%dma_wait3A_70 : memref<32x1024xf32, #tpu.memory_space<hbm>>) dst(%arg7 : memref<32x1024xf32, #tpu.memory_space<vmem>>)
      tpu.yield
    }) : () -> ()
    %dma_start3A_14 = arith.constant 0 : i32
    %dma_start3A_15 = arith.constant 0 : i32
    %dma_start3A_16 = tpu.memref_slice %arg4[%dma_start3A_14, %dma_start3A_15] : memref<9728x1024xf32, #tpu.memory_space<hbm>> -> memref<9728x1024xf32, #tpu.memory_space<hbm>>
    tpu.enqueue_indirect_dma source(%arg7 : memref<32x1024xf32, #tpu.memory_space<vmem>>) target(%dma_start3A_16 : memref<9728x1024xf32, #tpu.memory_space<hbm>>) offsets(%arg5 : memref<32xi32, #tpu.memory_space<vmem>>) semaphore(%arg9 : memref<!tpu.dma_semaphore, #tpu.memory_space<semaphore_mem>>)
    %dma_wait3A_17 = arith.constant 0 : i32
    %dma_wait3A_18 = arith.constant 0 : i32
    %dma_wait3A_19 = tpu.memref_slice %arg4[%dma_wait3A_17, %dma_wait3A_18] : memref<9728x1024xf32, #tpu.memory_space<hbm>> -> memref<9728x1024xf32, #tpu.memory_space<hbm>>
    tpu.wait_indirect_dma semaphore(%arg9 : memref<!tpu.dma_semaphore, #tpu.memory_space<semaphore_mem>>) src(%arg8 : memref<32x1024xf32, #tpu.memory_space<vmem>>) dst(%dma_wait3A_19 : memref<9728x1024xf32, #tpu.memory_space<hbm>>)
    %add3A_20 = arith.constant 96 : i32
    %add3A_21 = arith.addi %mul3A_2, %add3A_20 : i32
    "tpu.region"() ({
      %run_scoped3A = tpu.sem_alloc : memref<!tpu.dma_semaphore, #tpu.memory_space<semaphore_mem>>
      %dma_start3A_63 = tpu.memref_slice %arg3[%add3A_21] : memref<8192xi32, #tpu.memory_space<hbm>> -> memref<32xi32, #tpu.memory_space<hbm>>
      %dma_start3A_64 = tpu.memref_slice %arg3[%add3A_21] : memref<8192xi32, #tpu.memory_space<hbm>> -> memref<32xi32, #tpu.memory_space<hbm>>
      tpu.enqueue_dma source(%dma_start3A_64 : memref<32xi32, #tpu.memory_space<hbm>>) target(%arg6 : memref<32xi32, #tpu.memory_space<vmem>>) target_semaphore(%run_scoped3A : memref<!tpu.dma_semaphore, #tpu.memory_space<semaphore_mem>>)
      %dma_wait3A_65 = tpu.memref_slice %arg3[%add3A_21] : memref<8192xi32, #tpu.memory_space<hbm>> -> memref<32xi32, #tpu.memory_space<hbm>>
      %dma_wait3A_66 = tpu.memref_slice %arg3[%add3A_21] : memref<8192xi32, #tpu.memory_space<hbm>> -> memref<32xi32, #tpu.memory_space<hbm>>
      tpu.wait_dma2 semaphore(%run_scoped3A : memref<!tpu.dma_semaphore, #tpu.memory_space<semaphore_mem>>) src(%dma_wait3A_66 : memref<32xi32, #tpu.memory_space<hbm>>) dst(%arg6 : memref<32xi32, #tpu.memory_space<vmem>>)
      tpu.yield
    }) : () -> ()
    "tpu.region"() ({
      %run_scoped3A = tpu.sem_alloc : memref<!tpu.dma_semaphore, #tpu.memory_space<semaphore_mem>>
      %dma_start3A_63 = arith.constant 0 : i32
      %dma_start3A_64 = tpu.memref_slice %arg2[%add3A_21, %dma_start3A_63] : memref<8192x1024xf32, #tpu.memory_space<hbm>> -> memref<32x1024xf32, #tpu.memory_space<hbm>>
      %dma_start3A_65 = arith.constant 0 : i32
      %dma_start3A_66 = tpu.memref_slice %arg2[%add3A_21, %dma_start3A_65] : memref<8192x1024xf32, #tpu.memory_space<hbm>> -> memref<32x1024xf32, #tpu.memory_space<hbm>>
      tpu.enqueue_dma source(%dma_start3A_66 : memref<32x1024xf32, #tpu.memory_space<hbm>>) target(%arg8 : memref<32x1024xf32, #tpu.memory_space<vmem>>) target_semaphore(%run_scoped3A : memref<!tpu.dma_semaphore, #tpu.memory_space<semaphore_mem>>)
      %dma_wait3A_67 = arith.constant 0 : i32
      %dma_wait3A_68 = tpu.memref_slice %arg2[%add3A_21, %dma_wait3A_67] : memref<8192x1024xf32, #tpu.memory_space<hbm>> -> memref<32x1024xf32, #tpu.memory_space<hbm>>
      %dma_wait3A_69 = arith.constant 0 : i32
      %dma_wait3A_70 = tpu.memref_slice %arg2[%add3A_21, %dma_wait3A_69] : memref<8192x1024xf32, #tpu.memory_space<hbm>> -> memref<32x1024xf32, #tpu.memory_space<hbm>>
      tpu.wait_dma2 semaphore(%run_scoped3A : memref<!tpu.dma_semaphore, #tpu.memory_space<semaphore_mem>>) src(%dma_wait3A_70 : memref<32x1024xf32, #tpu.memory_space<hbm>>) dst(%arg8 : memref<32x1024xf32, #tpu.memory_space<vmem>>)
      tpu.yield
    }) : () -> ()
    %dma_start3A_22 = arith.constant 0 : i32
    %dma_start3A_23 = arith.constant 0 : i32
    %dma_start3A_24 = tpu.memref_slice %arg4[%dma_start3A_22, %dma_start3A_23] : memref<9728x1024xf32, #tpu.memory_space<hbm>> -> memref<9728x1024xf32, #tpu.memory_space<hbm>>
    tpu.enqueue_indirect_dma source(%arg8 : memref<32x1024xf32, #tpu.memory_space<vmem>>) target(%dma_start3A_24 : memref<9728x1024xf32, #tpu.memory_space<hbm>>) offsets(%arg6 : memref<32xi32, #tpu.memory_space<vmem>>) semaphore(%arg9 : memref<!tpu.dma_semaphore, #tpu.memory_space<semaphore_mem>>)
    %dma_wait3A_25 = arith.constant 0 : i32
    %dma_wait3A_26 = arith.constant 0 : i32
    %dma_wait3A_27 = tpu.memref_slice %arg4[%dma_wait3A_25, %dma_wait3A_26] : memref<9728x1024xf32, #tpu.memory_space<hbm>> -> memref<9728x1024xf32, #tpu.memory_space<hbm>>
    tpu.wait_indirect_dma semaphore(%arg9 : memref<!tpu.dma_semaphore, #tpu.memory_space<semaphore_mem>>) src(%arg7 : memref<32x1024xf32, #tpu.memory_space<vmem>>) dst(%dma_wait3A_27 : memref<9728x1024xf32, #tpu.memory_space<hbm>>)
    %add3A_28 = arith.constant 128 : i32
    %add3A_29 = arith.addi %mul3A_2, %add3A_28 : i32
    "tpu.region"() ({
      %run_scoped3A = tpu.sem_alloc : memref<!tpu.dma_semaphore, #tpu.memory_space<semaphore_mem>>
      %dma_start3A_63 = tpu.memref_slice %arg3[%add3A_29] : memref<8192xi32, #tpu.memory_space<hbm>> -> memref<32xi32, #tpu.memory_space<hbm>>
      %dma_start3A_64 = tpu.memref_slice %arg3[%add3A_29] : memref<8192xi32, #tpu.memory_space<hbm>> -> memref<32xi32, #tpu.memory_space<hbm>>
      tpu.enqueue_dma source(%dma_start3A_64 : memref<32xi32, #tpu.memory_space<hbm>>) target(%arg5 : memref<32xi32, #tpu.memory_space<vmem>>) target_semaphore(%run_scoped3A : memref<!tpu.dma_semaphore, #tpu.memory_space<semaphore_mem>>)
      %dma_wait3A_65 = tpu.memref_slice %arg3[%add3A_29] : memref<8192xi32, #tpu.memory_space<hbm>> -> memref<32xi32, #tpu.memory_space<hbm>>
      %dma_wait3A_66 = tpu.memref_slice %arg3[%add3A_29] : memref<8192xi32, #tpu.memory_space<hbm>> -> memref<32xi32, #tpu.memory_space<hbm>>
      tpu.wait_dma2 semaphore(%run_scoped3A : memref<!tpu.dma_semaphore, #tpu.memory_space<semaphore_mem>>) src(%dma_wait3A_66 : memref<32xi32, #tpu.memory_space<hbm>>) dst(%arg5 : memref<32xi32, #tpu.memory_space<vmem>>)
      tpu.yield
    }) : () -> ()
    "tpu.region"() ({
      %run_scoped3A = tpu.sem_alloc : memref<!tpu.dma_semaphore, #tpu.memory_space<semaphore_mem>>
      %dma_start3A_63 = arith.constant 0 : i32
      %dma_start3A_64 = tpu.memref_slice %arg2[%add3A_29, %dma_start3A_63] : memref<8192x1024xf32, #tpu.memory_space<hbm>> -> memref<32x1024xf32, #tpu.memory_space<hbm>>
      %dma_start3A_65 = arith.constant 0 : i32
      %dma_start3A_66 = tpu.memref_slice %arg2[%add3A_29, %dma_start3A_65] : memref<8192x1024xf32, #tpu.memory_space<hbm>> -> memref<32x1024xf32, #tpu.memory_space<hbm>>
      tpu.enqueue_dma source(%dma_start3A_66 : memref<32x1024xf32, #tpu.memory_space<hbm>>) target(%arg7 : memref<32x1024xf32, #tpu.memory_space<vmem>>) target_semaphore(%run_scoped3A : memref<!tpu.dma_semaphore, #tpu.memory_space<semaphore_mem>>)
      %dma_wait3A_67 = arith.constant 0 : i32
      %dma_wait3A_68 = tpu.memref_slice %arg2[%add3A_29, %dma_wait3A_67] : memref<8192x1024xf32, #tpu.memory_space<hbm>> -> memref<32x1024xf32, #tpu.memory_space<hbm>>
      %dma_wait3A_69 = arith.constant 0 : i32
      %dma_wait3A_70 = tpu.memref_slice %arg2[%add3A_29, %dma_wait3A_69] : memref<8192x1024xf32, #tpu.memory_space<hbm>> -> memref<32x1024xf32, #tpu.memory_space<hbm>>
      tpu.wait_dma2 semaphore(%run_scoped3A : memref<!tpu.dma_semaphore, #tpu.memory_space<semaphore_mem>>) src(%dma_wait3A_70 : memref<32x1024xf32, #tpu.memory_space<hbm>>) dst(%arg7 : memref<32x1024xf32, #tpu.memory_space<vmem>>)
      tpu.yield
    }) : () -> ()
    %dma_start3A_30 = arith.constant 0 : i32
    %dma_start3A_31 = arith.constant 0 : i32
    %dma_start3A_32 = tpu.memref_slice %arg4[%dma_start3A_30, %dma_start3A_31] : memref<9728x1024xf32, #tpu.memory_space<hbm>> -> memref<9728x1024xf32, #tpu.memory_space<hbm>>
    tpu.enqueue_indirect_dma source(%arg7 : memref<32x1024xf32, #tpu.memory_space<vmem>>) target(%dma_start3A_32 : memref<9728x1024xf32, #tpu.memory_space<hbm>>) offsets(%arg5 : memref<32xi32, #tpu.memory_space<vmem>>) semaphore(%arg9 : memref<!tpu.dma_semaphore, #tpu.memory_space<semaphore_mem>>)
    %dma_wait3A_33 = arith.constant 0 : i32
    %dma_wait3A_34 = arith.constant 0 : i32
    %dma_wait3A_35 = tpu.memref_slice %arg4[%dma_wait3A_33, %dma_wait3A_34] : memref<9728x1024xf32, #tpu.memory_space<hbm>> -> memref<9728x1024xf32, #tpu.memory_space<hbm>>
    tpu.wait_indirect_dma semaphore(%arg9 : memref<!tpu.dma_semaphore, #tpu.memory_space<semaphore_mem>>) src(%arg8 : memref<32x1024xf32, #tpu.memory_space<vmem>>) dst(%dma_wait3A_35 : memref<9728x1024xf32, #tpu.memory_space<hbm>>)
    %add3A_36 = arith.constant 160 : i32
    %add3A_37 = arith.addi %mul3A_2, %add3A_36 : i32
    "tpu.region"() ({
      %run_scoped3A = tpu.sem_alloc : memref<!tpu.dma_semaphore, #tpu.memory_space<semaphore_mem>>
      %dma_start3A_63 = tpu.memref_slice %arg3[%add3A_37] : memref<8192xi32, #tpu.memory_space<hbm>> -> memref<32xi32, #tpu.memory_space<hbm>>
      %dma_start3A_64 = tpu.memref_slice %arg3[%add3A_37] : memref<8192xi32, #tpu.memory_space<hbm>> -> memref<32xi32, #tpu.memory_space<hbm>>
      tpu.enqueue_dma source(%dma_start3A_64 : memref<32xi32, #tpu.memory_space<hbm>>) target(%arg6 : memref<32xi32, #tpu.memory_space<vmem>>) target_semaphore(%run_scoped3A : memref<!tpu.dma_semaphore, #tpu.memory_space<semaphore_mem>>)
      %dma_wait3A_65 = tpu.memref_slice %arg3[%add3A_37] : memref<8192xi32, #tpu.memory_space<hbm>> -> memref<32xi32, #tpu.memory_space<hbm>>
      %dma_wait3A_66 = tpu.memref_slice %arg3[%add3A_37] : memref<8192xi32, #tpu.memory_space<hbm>> -> memref<32xi32, #tpu.memory_space<hbm>>
      tpu.wait_dma2 semaphore(%run_scoped3A : memref<!tpu.dma_semaphore, #tpu.memory_space<semaphore_mem>>) src(%dma_wait3A_66 : memref<32xi32, #tpu.memory_space<hbm>>) dst(%arg6 : memref<32xi32, #tpu.memory_space<vmem>>)
      tpu.yield
    }) : () -> ()
    "tpu.region"() ({
      %run_scoped3A = tpu.sem_alloc : memref<!tpu.dma_semaphore, #tpu.memory_space<semaphore_mem>>
      %dma_start3A_63 = arith.constant 0 : i32
      %dma_start3A_64 = tpu.memref_slice %arg2[%add3A_37, %dma_start3A_63] : memref<8192x1024xf32, #tpu.memory_space<hbm>> -> memref<32x1024xf32, #tpu.memory_space<hbm>>
      %dma_start3A_65 = arith.constant 0 : i32
      %dma_start3A_66 = tpu.memref_slice %arg2[%add3A_37, %dma_start3A_65] : memref<8192x1024xf32, #tpu.memory_space<hbm>> -> memref<32x1024xf32, #tpu.memory_space<hbm>>
      tpu.enqueue_dma source(%dma_start3A_66 : memref<32x1024xf32, #tpu.memory_space<hbm>>) target(%arg8 : memref<32x1024xf32, #tpu.memory_space<vmem>>) target_semaphore(%run_scoped3A : memref<!tpu.dma_semaphore, #tpu.memory_space<semaphore_mem>>)
      %dma_wait3A_67 = arith.constant 0 : i32
      %dma_wait3A_68 = tpu.memref_slice %arg2[%add3A_37, %dma_wait3A_67] : memref<8192x1024xf32, #tpu.memory_space<hbm>> -> memref<32x1024xf32, #tpu.memory_space<hbm>>
      %dma_wait3A_69 = arith.constant 0 : i32
      %dma_wait3A_70 = tpu.memref_slice %arg2[%add3A_37, %dma_wait3A_69] : memref<8192x1024xf32, #tpu.memory_space<hbm>> -> memref<32x1024xf32, #tpu.memory_space<hbm>>
      tpu.wait_dma2 semaphore(%run_scoped3A : memref<!tpu.dma_semaphore, #tpu.memory_space<semaphore_mem>>) src(%dma_wait3A_70 : memref<32x1024xf32, #tpu.memory_space<hbm>>) dst(%arg8 : memref<32x1024xf32, #tpu.memory_space<vmem>>)
      tpu.yield
    }) : () -> ()
    %dma_start3A_38 = arith.constant 0 : i32
    %dma_start3A_39 = arith.constant 0 : i32
    %dma_start3A_40 = tpu.memref_slice %arg4[%dma_start3A_38, %dma_start3A_39] : memref<9728x1024xf32, #tpu.memory_space<hbm>> -> memref<9728x1024xf32, #tpu.memory_space<hbm>>
    tpu.enqueue_indirect_dma source(%arg8 : memref<32x1024xf32, #tpu.memory_space<vmem>>) target(%dma_start3A_40 : memref<9728x1024xf32, #tpu.memory_space<hbm>>) offsets(%arg6 : memref<32xi32, #tpu.memory_space<vmem>>) semaphore(%arg9 : memref<!tpu.dma_semaphore, #tpu.memory_space<semaphore_mem>>)
    %dma_wait3A_41 = arith.constant 0 : i32
    %dma_wait3A_42 = arith.constant 0 : i32
    %dma_wait3A_43 = tpu.memref_slice %arg4[%dma_wait3A_41, %dma_wait3A_42] : memref<9728x1024xf32, #tpu.memory_space<hbm>> -> memref<9728x1024xf32, #tpu.memory_space<hbm>>
    tpu.wait_indirect_dma semaphore(%arg9 : memref<!tpu.dma_semaphore, #tpu.memory_space<semaphore_mem>>) src(%arg7 : memref<32x1024xf32, #tpu.memory_space<vmem>>) dst(%dma_wait3A_43 : memref<9728x1024xf32, #tpu.memory_space<hbm>>)
    %add3A_44 = arith.constant 192 : i32
    %add3A_45 = arith.addi %mul3A_2, %add3A_44 : i32
    "tpu.region"() ({
      %run_scoped3A = tpu.sem_alloc : memref<!tpu.dma_semaphore, #tpu.memory_space<semaphore_mem>>
      %dma_start3A_63 = tpu.memref_slice %arg3[%add3A_45] : memref<8192xi32, #tpu.memory_space<hbm>> -> memref<32xi32, #tpu.memory_space<hbm>>
      %dma_start3A_64 = tpu.memref_slice %arg3[%add3A_45] : memref<8192xi32, #tpu.memory_space<hbm>> -> memref<32xi32, #tpu.memory_space<hbm>>
      tpu.enqueue_dma source(%dma_start3A_64 : memref<32xi32, #tpu.memory_space<hbm>>) target(%arg5 : memref<32xi32, #tpu.memory_space<vmem>>) target_semaphore(%run_scoped3A : memref<!tpu.dma_semaphore, #tpu.memory_space<semaphore_mem>>)
      %dma_wait3A_65 = tpu.memref_slice %arg3[%add3A_45] : memref<8192xi32, #tpu.memory_space<hbm>> -> memref<32xi32, #tpu.memory_space<hbm>>
      %dma_wait3A_66 = tpu.memref_slice %arg3[%add3A_45] : memref<8192xi32, #tpu.memory_space<hbm>> -> memref<32xi32, #tpu.memory_space<hbm>>
      tpu.wait_dma2 semaphore(%run_scoped3A : memref<!tpu.dma_semaphore, #tpu.memory_space<semaphore_mem>>) src(%dma_wait3A_66 : memref<32xi32, #tpu.memory_space<hbm>>) dst(%arg5 : memref<32xi32, #tpu.memory_space<vmem>>)
      tpu.yield
    }) : () -> ()
    "tpu.region"() ({
      %run_scoped3A = tpu.sem_alloc : memref<!tpu.dma_semaphore, #tpu.memory_space<semaphore_mem>>
      %dma_start3A_63 = arith.constant 0 : i32
      %dma_start3A_64 = tpu.memref_slice %arg2[%add3A_45, %dma_start3A_63] : memref<8192x1024xf32, #tpu.memory_space<hbm>> -> memref<32x1024xf32, #tpu.memory_space<hbm>>
      %dma_start3A_65 = arith.constant 0 : i32
      %dma_start3A_66 = tpu.memref_slice %arg2[%add3A_45, %dma_start3A_65] : memref<8192x1024xf32, #tpu.memory_space<hbm>> -> memref<32x1024xf32, #tpu.memory_space<hbm>>
      tpu.enqueue_dma source(%dma_start3A_66 : memref<32x1024xf32, #tpu.memory_space<hbm>>) target(%arg7 : memref<32x1024xf32, #tpu.memory_space<vmem>>) target_semaphore(%run_scoped3A : memref<!tpu.dma_semaphore, #tpu.memory_space<semaphore_mem>>)
      %dma_wait3A_67 = arith.constant 0 : i32
      %dma_wait3A_68 = tpu.memref_slice %arg2[%add3A_45, %dma_wait3A_67] : memref<8192x1024xf32, #tpu.memory_space<hbm>> -> memref<32x1024xf32, #tpu.memory_space<hbm>>
      %dma_wait3A_69 = arith.constant 0 : i32
      %dma_wait3A_70 = tpu.memref_slice %arg2[%add3A_45, %dma_wait3A_69] : memref<8192x1024xf32, #tpu.memory_space<hbm>> -> memref<32x1024xf32, #tpu.memory_space<hbm>>
      tpu.wait_dma2 semaphore(%run_scoped3A : memref<!tpu.dma_semaphore, #tpu.memory_space<semaphore_mem>>) src(%dma_wait3A_70 : memref<32x1024xf32, #tpu.memory_space<hbm>>) dst(%arg7 : memref<32x1024xf32, #tpu.memory_space<vmem>>)
      tpu.yield
    }) : () -> ()
    %dma_start3A_46 = arith.constant 0 : i32
    %dma_start3A_47 = arith.constant 0 : i32
    %dma_start3A_48 = tpu.memref_slice %arg4[%dma_start3A_46, %dma_start3A_47] : memref<9728x1024xf32, #tpu.memory_space<hbm>> -> memref<9728x1024xf32, #tpu.memory_space<hbm>>
    tpu.enqueue_indirect_dma source(%arg7 : memref<32x1024xf32, #tpu.memory_space<vmem>>) target(%dma_start3A_48 : memref<9728x1024xf32, #tpu.memory_space<hbm>>) offsets(%arg5 : memref<32xi32, #tpu.memory_space<vmem>>) semaphore(%arg9 : memref<!tpu.dma_semaphore, #tpu.memory_space<semaphore_mem>>)
    %dma_wait3A_49 = arith.constant 0 : i32
    %dma_wait3A_50 = arith.constant 0 : i32
    %dma_wait3A_51 = tpu.memref_slice %arg4[%dma_wait3A_49, %dma_wait3A_50] : memref<9728x1024xf32, #tpu.memory_space<hbm>> -> memref<9728x1024xf32, #tpu.memory_space<hbm>>
    tpu.wait_indirect_dma semaphore(%arg9 : memref<!tpu.dma_semaphore, #tpu.memory_space<semaphore_mem>>) src(%arg8 : memref<32x1024xf32, #tpu.memory_space<vmem>>) dst(%dma_wait3A_51 : memref<9728x1024xf32, #tpu.memory_space<hbm>>)
    %add3A_52 = arith.constant 224 : i32
    %add3A_53 = arith.addi %mul3A_2, %add3A_52 : i32
    "tpu.region"() ({
      %run_scoped3A = tpu.sem_alloc : memref<!tpu.dma_semaphore, #tpu.memory_space<semaphore_mem>>
      %dma_start3A_63 = tpu.memref_slice %arg3[%add3A_53] : memref<8192xi32, #tpu.memory_space<hbm>> -> memref<32xi32, #tpu.memory_space<hbm>>
      %dma_start3A_64 = tpu.memref_slice %arg3[%add3A_53] : memref<8192xi32, #tpu.memory_space<hbm>> -> memref<32xi32, #tpu.memory_space<hbm>>
      tpu.enqueue_dma source(%dma_start3A_64 : memref<32xi32, #tpu.memory_space<hbm>>) target(%arg6 : memref<32xi32, #tpu.memory_space<vmem>>) target_semaphore(%run_scoped3A : memref<!tpu.dma_semaphore, #tpu.memory_space<semaphore_mem>>)
      %dma_wait3A_65 = tpu.memref_slice %arg3[%add3A_53] : memref<8192xi32, #tpu.memory_space<hbm>> -> memref<32xi32, #tpu.memory_space<hbm>>
      %dma_wait3A_66 = tpu.memref_slice %arg3[%add3A_53] : memref<8192xi32, #tpu.memory_space<hbm>> -> memref<32xi32, #tpu.memory_space<hbm>>
      tpu.wait_dma2 semaphore(%run_scoped3A : memref<!tpu.dma_semaphore, #tpu.memory_space<semaphore_mem>>) src(%dma_wait3A_66 : memref<32xi32, #tpu.memory_space<hbm>>) dst(%arg6 : memref<32xi32, #tpu.memory_space<vmem>>)
      tpu.yield
    }) : () -> ()
    "tpu.region"() ({
      %run_scoped3A = tpu.sem_alloc : memref<!tpu.dma_semaphore, #tpu.memory_space<semaphore_mem>>
      %dma_start3A_63 = arith.constant 0 : i32
      %dma_start3A_64 = tpu.memref_slice %arg2[%add3A_53, %dma_start3A_63] : memref<8192x1024xf32, #tpu.memory_space<hbm>> -> memref<32x1024xf32, #tpu.memory_space<hbm>>
      %dma_start3A_65 = arith.constant 0 : i32
      %dma_start3A_66 = tpu.memref_slice %arg2[%add3A_53, %dma_start3A_65] : memref<8192x1024xf32, #tpu.memory_space<hbm>> -> memref<32x1024xf32, #tpu.memory_space<hbm>>
      tpu.enqueue_dma source(%dma_start3A_66 : memref<32x1024xf32, #tpu.memory_space<hbm>>) target(%arg8 : memref<32x1024xf32, #tpu.memory_space<vmem>>) target_semaphore(%run_scoped3A : memref<!tpu.dma_semaphore, #tpu.memory_space<semaphore_mem>>)
      %dma_wait3A_67 = arith.constant 0 : i32
      %dma_wait3A_68 = tpu.memref_slice %arg2[%add3A_53, %dma_wait3A_67] : memref<8192x1024xf32, #tpu.memory_space<hbm>> -> memref<32x1024xf32, #tpu.memory_space<hbm>>
      %dma_wait3A_69 = arith.constant 0 : i32
      %dma_wait3A_70 = tpu.memref_slice %arg2[%add3A_53, %dma_wait3A_69] : memref<8192x1024xf32, #tpu.memory_space<hbm>> -> memref<32x1024xf32, #tpu.memory_space<hbm>>
      tpu.wait_dma2 semaphore(%run_scoped3A : memref<!tpu.dma_semaphore, #tpu.memory_space<semaphore_mem>>) src(%dma_wait3A_70 : memref<32x1024xf32, #tpu.memory_space<hbm>>) dst(%arg8 : memref<32x1024xf32, #tpu.memory_space<vmem>>)
      tpu.yield
    }) : () -> ()
    %dma_start3A_54 = arith.constant 0 : i32
    %dma_start3A_55 = arith.constant 0 : i32
    %dma_start3A_56 = tpu.memref_slice %arg4[%dma_start3A_54, %dma_start3A_55] : memref<9728x1024xf32, #tpu.memory_space<hbm>> -> memref<9728x1024xf32, #tpu.memory_space<hbm>>
    tpu.enqueue_indirect_dma source(%arg8 : memref<32x1024xf32, #tpu.memory_space<vmem>>) target(%dma_start3A_56 : memref<9728x1024xf32, #tpu.memory_space<hbm>>) offsets(%arg6 : memref<32xi32, #tpu.memory_space<vmem>>) semaphore(%arg9 : memref<!tpu.dma_semaphore, #tpu.memory_space<semaphore_mem>>)
    %dma_wait3A_57 = arith.constant 0 : i32
    %dma_wait3A_58 = arith.constant 0 : i32
    %dma_wait3A_59 = tpu.memref_slice %arg4[%dma_wait3A_57, %dma_wait3A_58] : memref<9728x1024xf32, #tpu.memory_space<hbm>> -> memref<9728x1024xf32, #tpu.memory_space<hbm>>
    tpu.wait_indirect_dma semaphore(%arg9 : memref<!tpu.dma_semaphore, #tpu.memory_space<semaphore_mem>>) src(%arg7 : memref<32x1024xf32, #tpu.memory_space<vmem>>) dst(%dma_wait3A_59 : memref<9728x1024xf32, #tpu.memory_space<hbm>>)
    %dma_wait3A_60 = arith.constant 0 : i32
    %dma_wait3A_61 = arith.constant 0 : i32
    %dma_wait3A_62 = tpu.memref_slice %arg4[%dma_wait3A_60, %dma_wait3A_61] : memref<9728x1024xf32, #tpu.memory_space<hbm>> -> memref<9728x1024xf32, #tpu.memory_space<hbm>>
    tpu.wait_indirect_dma semaphore(%arg9 : memref<!tpu.dma_semaphore, #tpu.memory_space<semaphore_mem>>) src(%arg8 : memref<32x1024xf32, #tpu.memory_space<vmem>>) dst(%dma_wait3A_62 : memref<9728x1024xf32, #tpu.memory_space<hbm>>)
    return
  }
}

module attributes {stable_mosaic.version = 14 : i64} {
  func.func @_mm_body(%arg0: i32, %arg1: memref<19xi32, #tpu.memory_space<smem>>, %arg2: memref<512x1024xf32, #tpu.memory_space<vmem>>, %arg3: memref<1x1024x1024xf32, #tpu.memory_space<vmem>>, %arg4: memref<512x1024xf32, #tpu.memory_space<vmem>>) attributes {dimension_semantics = [#tpu.dimension_semantics<arbitrary>], iteration_bounds = array<i64: 19>, scalar_prefetch = 1 : i64, scratch_operands = 0 : i64, tpu.core_type = #tpu.core_type<tc>, window_params = [{transform_indices = @transform_0, window_bounds = array<i64: 512, 1024>}, {transform_indices = @transform_1, window_bounds = array<i64: 1, 1024, 1024>}, {transform_indices = @transform_2, window_bounds = array<i64: 512, 1024>}]} {
    %get3A = arith.constant 0 : index
    %get3A_0 = arith.constant 0 : index
    %get3A_1 = vector.load %arg2[%get3A, %get3A_0] : memref<512x1024xf32, #tpu.memory_space<vmem>>, vector<512x1024xf32>
    %get3A_2 = arith.constant 0 : index
    %get3A_3 = arith.constant 0 : index
    %get3A_4 = arith.constant 0 : index
    %get3A_5 = vector.load %arg3[%get3A_2, %get3A_3, %get3A_4] : memref<1x1024x1024xf32, #tpu.memory_space<vmem>>, vector<1x1024x1024xf32>
    %get3A_6 = vector.shape_cast %get3A_5 : vector<1x1024x1024xf32> to vector<1024x1024xf32>
    %dot_general3A = arith.constant dense<0.000000e+00> : vector<512x1024xf32>
    %dot_general3A_7 = tpu.matmul %get3A_1, %get3A_6, %dot_general3A {dimension_numbers = #tpu.dot_dimension_numbers<[1], [1], [0], [0], [0, 0, 1, 0], [], []>, transpose_lhs_hint = false} : vector<512x1024xf32>, vector<1024x1024xf32>, vector<512x1024xf32> -> vector<512x1024xf32>
    %swap3A = arith.constant 0 : index
    %swap3A_8 = arith.constant 0 : index
    %swap3A_9 = vector.load %arg4[%swap3A, %swap3A_8] : memref<512x1024xf32, #tpu.memory_space<vmem>>, vector<512x1024xf32>
    tpu.vector_store %arg4[%swap3A, %swap3A_8], %dot_general3A_7 {strides = array<i32>} : memref<512x1024xf32, #tpu.memory_space<vmem>>, vector<512x1024xf32>,
    return
  }
  func.func @transform_0(%arg0: i32, %arg1: memref<19xi32, #tpu.memory_space<smem>>) -> (i32, i32) {
    %c0_i32 = arith.constant 0 : i32
    %c0_i32_0 = arith.constant 0 : i32
    return %arg0, %c0_i32 : i32, i32
  }
  func.func @transform_1(%arg0: i32, %arg1: memref<19xi32, #tpu.memory_space<smem>>) -> (i32, i32, i32) {
    %get3A = arith.index_cast %arg0 : i32 to index
    %get3A_0 = memref.load %arg1[%get3A] : memref<19xi32, #tpu.memory_space<smem>>
    %c0_i32 = arith.constant 0 : i32
    %c0_i32_1 = arith.constant 0 : i32
    %c0_i32_2 = arith.constant 0 : i32
    return %get3A_0, %c0_i32, %c0_i32_1 : i32, i32, i32
  }
  func.func @transform_2(%arg0: i32, %arg1: memref<19xi32, #tpu.memory_space<smem>>) -> (i32, i32) {
    %c0_i32 = arith.constant 0 : i32
    %c0_i32_0 = arith.constant 0 : i32
    return %arg0, %c0_i32 : i32, i32
  }
}

module attributes {stable_mosaic.version = 14 : i64} {
  func.func @_routing_body(%arg0: memref<64x128xi32, #tpu.memory_space<vmem>>, %arg1: memref<64x128xi32, #tpu.memory_space<vmem>>, %arg2: memref<1x128xi32, #tpu.memory_space<vmem>>) attributes {dimension_semantics = [], scalar_prefetch = 0 : i64, scratch_operands = 0 : i64, tpu.core_type = #tpu.core_type<tc>} {
    %get3A = arith.constant 0 : index
    %get3A_0 = arith.constant 0 : index
    %get3A_1 = vector.load %arg0[%get3A, %get3A_0] : memref<64x128xi32, #tpu.memory_space<vmem>>, vector<64x128xi32>
    %convert_element_type3A = arith.sitofp %get3A_1 : vector<64x128xi32> to vector<64x128xf32>
    %iota3A = tpu.iota {dimensions = array<i32: 0>} : vector<128x128xi32>
    %iota3A_2 = tpu.iota {dimensions = array<i32: 1>} : vector<128x128xi32>
    %le3A = arith.cmpi sle, %iota3A, %iota3A_2 : vector<128x128xi32>
    %convert_element_type3A_3 = arith.extui %le3A : vector<128x128xi1> to vector<128x128xi32>
    %convert_element_type3A_4 = arith.sitofp %convert_element_type3A_3 : vector<128x128xi32> to vector<128x128xf32>
    %iota3A_5 = tpu.iota {dimensions = array<i32: 0>} : vector<64x64xi32>
    %iota3A_6 = tpu.iota {dimensions = array<i32: 1>} : vector<64x64xi32>
    %lt3A = arith.cmpi slt, %iota3A_6, %iota3A_5 : vector<64x64xi32>
    %convert_element_type3A_7 = arith.extui %lt3A : vector<64x64xi1> to vector<64x64xi32>
    %convert_element_type3A_8 = arith.sitofp %convert_element_type3A_7 : vector<64x64xi32> to vector<64x64xf32>
    %eq3A = arith.constant 0.000000e+00 : f32
    %eq3A_9 = vector.broadcast %eq3A : f32 to vector<64x128xf32>
    %eq3A_10 = arith.cmpf oeq, %convert_element_type3A, %eq3A_9 : vector<64x128xf32>
    %convert_element_type3A_11 = arith.extui %eq3A_10 : vector<64x128xi1> to vector<64x128xi32>
    %convert_element_type3A_12 = arith.sitofp %convert_element_type3A_11 : vector<64x128xi32> to vector<64x128xf32>
    %dot_general3A = arith.constant dense<0.000000e+00> : vector<64x128xf32>
    %dot_general3A_13 = tpu.matmul %convert_element_type3A_12, %convert_element_type3A_4, %dot_general3A {dimension_numbers = #tpu.dot_dimension_numbers<[1], [0], [0], [1], [0, 0, 1, 1], [], []>, precision = #tpu.contract_precision<fp32>, transpose_lhs_hint = false} : vector<64x128xf32>, vector<128x128xf32>, vector<64x128xf32> -> vector<64x128xf32>
    %slice3A = vector.extract_strided_slice %dot_general3A_13 {offsets = [0, 127], sizes = [64, 1], strides = [1, 1]} : vector<64x128xf32> to vector<64x1xf32>
    %dot_general3A_14 = arith.constant dense<0.000000e+00> : vector<64x1xf32>
    %dot_general3A_15 = tpu.matmul %convert_element_type3A_8, %slice3A, %dot_general3A_14 {dimension_numbers = #tpu.dot_dimension_numbers<[1], [0], [0], [1], [0, 0, 1, 1], [], []>, precision = #tpu.contract_precision<fp32>, transpose_lhs_hint = false} : vector<64x64xf32>, vector<64x1xf32>, vector<64x1xf32> -> vector<64x1xf32>
    %sub3A = arith.subf %dot_general3A_13, %convert_element_type3A_12 : vector<64x128xf32>
    %add3A = vector.broadcast %dot_general3A_15 : vector<64x1xf32> to vector<64x128xf32>
    %add3A_16 = arith.addf %sub3A, %add3A : vector<64x128xf32>
    %reduce_sum3A = vector.shape_cast %convert_element_type3A_12 : vector<64x128xf32> to vector<1x64x128xf32>
    %reduce_sum3A_17 = arith.constant dense<0.000000e+00> : vector<1xf32>
    %reduce_sum3A_18 = vector.multi_reduction <add>, %reduce_sum3A, %reduce_sum3A_17 [1, 2] : vector<1x64x128xf32> to vector<1xf32>
    %reduce_sum3A_19 = vector.shape_cast %reduce_sum3A_18 : vector<1xf32> to vector<1x1x1xf32>
    %reduce_sum3A_20 = vector.extract %reduce_sum3A_19[0, 0, 0] : f32 from vector<1x1x1xf32>
    %eq3A_21 = arith.constant 1.000000e+00 : f32
    %eq3A_22 = vector.broadcast %eq3A_21 : f32 to vector<64x128xf32>
    %eq3A_23 = arith.cmpf oeq, %convert_element_type3A, %eq3A_22 : vector<64x128xf32>
    %convert_element_type3A_24 = arith.extui %eq3A_23 : vector<64x128xi1> to vector<64x128xi32>
    %convert_element_type3A_25 = arith.sitofp %convert_element_type3A_24 : vector<64x128xi32> to vector<64x128xf32>
    %dot_general3A_26 = arith.constant dense<0.000000e+00> : vector<64x128xf32>
    %dot_general3A_27 = tpu.matmul %convert_element_type3A_25, %convert_element_type3A_4, %dot_general3A_26 {dimension_numbers = #tpu.dot_dimension_numbers<[1], [0], [0], [1], [0, 0, 1, 1], [], []>, precision = #tpu.contract_precision<fp32>, transpose_lhs_hint = false} : vector<64x128xf32>, vector<128x128xf32>, vector<64x128xf32> -> vector<64x128xf32>
    %slice3A_28 = vector.extract_strided_slice %dot_general3A_27 {offsets = [0, 127], sizes = [64, 1], strides = [1, 1]} : vector<64x128xf32> to vector<64x1xf32>
    %dot_general3A_29 = arith.constant dense<0.000000e+00> : vector<64x1xf32>
    %dot_general3A_30 = tpu.matmul %convert_element_type3A_8, %slice3A_28, %dot_general3A_29 {dimension_numbers = #tpu.dot_dimension_numbers<[1], [0], [0], [1], [0, 0, 1, 1], [], []>, precision = #tpu.contract_precision<fp32>, transpose_lhs_hint = false} : vector<64x64xf32>, vector<64x1xf32>, vector<64x1xf32> -> vector<64x1xf32>
    %sub3A_31 = arith.subf %dot_general3A_27, %convert_element_type3A_25 : vector<64x128xf32>
    %add3A_32 = vector.broadcast %dot_general3A_30 : vector<64x1xf32> to vector<64x128xf32>
    %add3A_33 = arith.addf %sub3A_31, %add3A_32 : vector<64x128xf32>
    %reduce_sum3A_34 = vector.shape_cast %convert_element_type3A_25 : vector<64x128xf32> to vector<1x64x128xf32>
    %reduce_sum3A_35 = arith.constant dense<0.000000e+00> : vector<1xf32>
    %reduce_sum3A_36 = vector.multi_reduction <add>, %reduce_sum3A_34, %reduce_sum3A_35 [1, 2] : vector<1x64x128xf32> to vector<1xf32>
    %reduce_sum3A_37 = vector.shape_cast %reduce_sum3A_36 : vector<1xf32> to vector<1x1x1xf32>
    %reduce_sum3A_38 = vector.extract %reduce_sum3A_37[0, 0, 0] : f32 from vector<1x1x1xf32>
    %eq3A_39 = arith.constant 2.000000e+00 : f32
    %eq3A_40 = vector.broadcast %eq3A_39 : f32 to vector<64x128xf32>
    %eq3A_41 = arith.cmpf oeq, %convert_element_type3A, %eq3A_40 : vector<64x128xf32>
    %convert_element_type3A_42 = arith.extui %eq3A_41 : vector<64x128xi1> to vector<64x128xi32>
    %convert_element_type3A_43 = arith.sitofp %convert_element_type3A_42 : vector<64x128xi32> to vector<64x128xf32>
    %dot_general3A_44 = arith.constant dense<0.000000e+00> : vector<64x128xf32>
    %dot_general3A_45 = tpu.matmul %convert_element_type3A_43, %convert_element_type3A_4, %dot_general3A_44 {dimension_numbers = #tpu.dot_dimension_numbers<[1], [0], [0], [1], [0, 0, 1, 1], [], []>, precision = #tpu.contract_precision<fp32>, transpose_lhs_hint = false} : vector<64x128xf32>, vector<128x128xf32>, vector<64x128xf32> -> vector<64x128xf32>
    %slice3A_46 = vector.extract_strided_slice %dot_general3A_45 {offsets = [0, 127], sizes = [64, 1], strides = [1, 1]} : vector<64x128xf32> to vector<64x1xf32>
    %dot_general3A_47 = arith.constant dense<0.000000e+00> : vector<64x1xf32>
    %dot_general3A_48 = tpu.matmul %convert_element_type3A_8, %slice3A_46, %dot_general3A_47 {dimension_numbers = #tpu.dot_dimension_numbers<[1], [0], [0], [1], [0, 0, 1, 1], [], []>, precision = #tpu.contract_precision<fp32>, transpose_lhs_hint = false} : vector<64x64xf32>, vector<64x1xf32>, vector<64x1xf32> -> vector<64x1xf32>
    %sub3A_49 = arith.subf %dot_general3A_45, %convert_element_type3A_43 : vector<64x128xf32>
    %add3A_50 = vector.broadcast %dot_general3A_48 : vector<64x1xf32> to vector<64x128xf32>
    %add3A_51 = arith.addf %sub3A_49, %add3A_50 : vector<64x128xf32>
    %div3A = arith.constant 5.120000e+02 : f32
    %div3A_52 = arith.divf %reduce_sum3A_20, %div3A : f32
    %ceil3A = math.ceil %div3A_52 : f32
    %mul3A = arith.constant 5.120000e+02 : f32
    %mul3A_53 = arith.mulf %ceil3A, %mul3A : f32
    %add3A_54 = arith.constant 0.000000e+00 : f32
    %add3A_55 = arith.addf %add3A_54, %mul3A_53 : f32
    %div3A_56 = arith.constant 5.120000e+02 : f32
    %div3A_57 = arith.divf %reduce_sum3A_38, %div3A_56 : f32
    %ceil3A_58 = math.ceil %div3A_57 : f32
    %mul3A_59 = arith.constant 5.120000e+02 : f32
    %mul3A_60 = arith.mulf %ceil3A_58, %mul3A_59 : f32
    %add3A_61 = arith.addf %add3A_55, %mul3A_60 : f32
    %broadcast_in_dim3A = arith.constant 0.000000e+00 : f32
    %broadcast_in_dim3A_62 = vector.broadcast %broadcast_in_dim3A : f32 to vector<64x128xf32>
    %eq3A_63 = arith.constant 0.000000e+00 : f32
    %eq3A_64 = vector.broadcast %eq3A_63 : f32 to vector<64x128xf32>
    %eq3A_65 = arith.cmpf oeq, %convert_element_type3A, %eq3A_64 : vector<64x128xf32>
    %convert_element_type3A_66 = arith.extui %eq3A_65 : vector<64x128xi1> to vector<64x128xi32>
    %convert_element_type3A_67 = arith.sitofp %convert_element_type3A_66 : vector<64x128xi32> to vector<64x128xf32>
    %add3A_68 = arith.constant 0.000000e+00 : f32
    %add3A_69 = vector.broadcast %add3A_68 : f32 to vector<64x128xf32>
    %add3A_70 = arith.addf %add3A_69, %add3A_16 : vector<64x128xf32>
    %mul3A_71 = arith.mulf %convert_element_type3A_67, %add3A_70 : vector<64x128xf32>
    %add3A_72 = arith.addf %broadcast_in_dim3A_62, %mul3A_71 : vector<64x128xf32>
    %eq3A_73 = arith.constant 1.000000e+00 : f32
    %eq3A_74 = vector.broadcast %eq3A_73 : f32 to vector<64x128xf32>
    %eq3A_75 = arith.cmpf oeq, %convert_element_type3A, %eq3A_74 : vector<64x128xf32>
    %convert_element_type3A_76 = arith.extui %eq3A_75 : vector<64x128xi1> to vector<64x128xi32>
    %convert_element_type3A_77 = arith.sitofp %convert_element_type3A_76 : vector<64x128xi32> to vector<64x128xf32>
    %add3A_78 = vector.broadcast %add3A_55 : f32 to vector<64x128xf32>
    %add3A_79 = arith.addf %add3A_78, %add3A_33 : vector<64x128xf32>
    %mul3A_80 = arith.mulf %convert_element_type3A_77, %add3A_79 : vector<64x128xf32>
    %add3A_81 = arith.addf %add3A_72, %mul3A_80 : vector<64x128xf32>
    %eq3A_82 = arith.constant 2.000000e+00 : f32
    %eq3A_83 = vector.broadcast %eq3A_82 : f32 to vector<64x128xf32>
    %eq3A_84 = arith.cmpf oeq, %convert_element_type3A, %eq3A_83 : vector<64x128xf32>
    %convert_element_type3A_85 = arith.extui %eq3A_84 : vector<64x128xi1> to vector<64x128xi32>
    %convert_element_type3A_86 = arith.sitofp %convert_element_type3A_85 : vector<64x128xi32> to vector<64x128xf32>
    %add3A_87 = vector.broadcast %add3A_61 : f32 to vector<64x128xf32>
    %add3A_88 = arith.addf %add3A_87, %add3A_51 : vector<64x128xf32>
    %mul3A_89 = arith.mulf %convert_element_type3A_86, %add3A_88 : vector<64x128xf32>
    %add3A_90 = arith.addf %add3A_81, %mul3A_89 : vector<64x128xf32>
    %convert_element_type3A_91 = arith.fptosi %add3A_90 : vector<64x128xf32> to vector<64x128xi32>
    %swap3A = arith.constant 0 : index
    %swap3A_92 = arith.constant 0 : index
    %swap3A_93 = vector.load %arg1[%swap3A, %swap3A_92] : memref<64x128xi32, #tpu.memory_space<vmem>>, vector<64x128xi32>
    tpu.vector_store %arg1[%swap3A, %swap3A_92], %convert_element_type3A_91 {strides = array<i32>} : memref<64x128xi32, #tpu.memory_space<vmem>>, vector<64x128xi32>,
    %iota3A_94 = tpu.iota {dimensions = array<i32: 1>} : vector<1x128xi32>
    %convert_element_type3A_95 = arith.sitofp %iota3A_94 : vector<1x128xi32> to vector<1x128xf32>
    %mul3A_96 = arith.constant 5.120000e+02 : f32
    %mul3A_97 = vector.broadcast %mul3A_96 : f32 to vector<1x128xf32>
    %mul3A_98 = arith.mulf %convert_element_type3A_95, %mul3A_97 : vector<1x128xf32>
    %broadcast_in_dim3A_99 = arith.constant 0.000000e+00 : f32
    %broadcast_in_dim3A_100 = vector.broadcast %broadcast_in_dim3A_99 : f32 to vector<1x128xf32>
    %ge3A = vector.broadcast %add3A_55 : f32 to vector<1x128xf32>
    %ge3A_101 = arith.cmpf oge, %mul3A_98, %ge3A : vector<1x128xf32>
    %convert_element_type3A_102 = arith.extui %ge3A_101 : vector<1x128xi1> to vector<1x128xi32>
    %convert_element_type3A_103 = arith.sitofp %convert_element_type3A_102 : vector<1x128xi32> to vector<1x128xf32>
    %add3A_104 = arith.addf %broadcast_in_dim3A_100, %convert_element_type3A_103 : vector<1x128xf32>
    %ge3A_105 = vector.broadcast %add3A_61 : f32 to vector<1x128xf32>
    %ge3A_106 = arith.cmpf oge, %mul3A_98, %ge3A_105 : vector<1x128xf32>
    %convert_element_type3A_107 = arith.extui %ge3A_106 : vector<1x128xi1> to vector<1x128xi32>
    %convert_element_type3A_108 = arith.sitofp %convert_element_type3A_107 : vector<1x128xi32> to vector<1x128xf32>
    %add3A_109 = arith.addf %add3A_104, %convert_element_type3A_108 : vector<1x128xf32>
    %convert_element_type3A_110 = arith.fptosi %add3A_109 : vector<1x128xf32> to vector<1x128xi32>
    %swap3A_111 = arith.constant 0 : index
    %swap3A_112 = arith.constant 0 : index
    %swap3A_113 = vector.load %arg2[%swap3A_111, %swap3A_112] : memref<1x128xi32, #tpu.memory_space<vmem>>, vector<1x128xi32>
    tpu.vector_store %arg2[%swap3A_111, %swap3A_112], %convert_element_type3A_110 {strides = array<i32>} : memref<1x128xi32, #tpu.memory_space<vmem>>, vector<1x128xi32>,
    return
  }
}

</mosaic_0001>

<sc_bundles>
// kernel: kernel.6.cloned.1.call-start
scs
__scs_entry_jumppad:
0x0: {  	(pc) =	sbr.rel $0x88, $3  }
0x1: {  	(tag) =	ssettag $0x0;
	lr =	simm.s32 $0x1  }
0x2: {  	[smem:$0x3F9E] =	sst lr;
	_ =	strace $0xD0000000  }
0x3: {  	_ = 	snop  }
0x4: {  	_ = 	snop  }
0x5: {  	_ = 	snop  }
0x6: {  	_ = 	snop  }
0x7: {  	_ = 	snop  }
__scs_overlays_trampoline_lowered:
0x8: {  	[smem:$0x3FAD] =	sst s0  }
0x9: {  	[smem:$0x3FAE] =	sst s1  }
0xa: {  	[smem:$0x3FAF] =	sst s2  }
0xb: {  	[smem:$0x3FB0] =	sst s3  }
0xc: {  	[smem:$0x3FB1] =	sst s4  }
0xd: {  	[smem:$0x3FB2] =	sst s5  }
0xe: {  	[smem:$0x3FB3] =	sst s6  }
0xf: {  	[smem:$0x3FB4] =	sst s7  }
0x10: {  	[smem:$0x3FB5] =	sst s8  }
0x11: {  	[smem:$0x3FB6] =	sst s9;
	s0 =	simm.s32 @!p0 $0x0  }
0x12: {  	s1 =	sld [smem:$0x3F9C];
	s0 =	simm.s32 @p0 $0x1  }
0x13: {  	[smem:$0x3FB7] =	sst s0;
	s0 =	simm.s32 @!p1 $0x0  }
0x14: {  	s2 =	sld [smem:$0x3F9B];
	s0 =	simm.s32 @p1 $0x1  }
0x15: {  	[smem:$0x3FB8] =	sst s0;
	s0 =	simm.s32 @!p2 $0x0  }
0x16: {  	s3 =	sld [smem:$0x3FDB];
	s0 =	simm.s32 @p2 $0x1  }
0x17: {  	s4 =	simm.s32 $0x1BF5;
	[smem:$0x3FBA] =	sst s0  }
0x18: {  	s0 =	sld [smem:$0x3F9D];
	_ =	swait.ge [sflag:s4], $0x0  }
0x19: {  	s7 =	sld [smem:$0x3F9E]  }
0x1a: {  	s8 =	sadd.s32 $0xFFFFE003, lr  }
0x1b: {  	s9 =	sadd.s32 $0xFFFFFEF7, lr;
	s5 =	simm.s32 $0xFFFFFFFF;
	p2 =	slt.u32 s8, $0xFFFFF086  }
0x1c: {  	p1 =	slt.u32 s9, $0xF7A;
	s5 =	simm.s32 @!p2 $0x0  }
0x1d: {  	s5 =	simm.s32 @p1 $0x1;
	p0 =	seq.s32 s7, s2  }
0x1e: {  	s7 =	smul.u32 @!p0 $0xF7A, s2;
	p2 =	seq.s32 @!p0 s5, $0x0  }
0x1f: {  	s9 =	smul.u32 $0xF7A, s1;
	s8 =	simm.s32 @!p0 $0x1BF5;
	p2 =	por !p2, p0  }
0x20: {  	[sflag:s8] =	ssyncset.s32 @!p0 $0xFFFFF086;
	s6 =	sadd.s32 @!p0 s3, s7;
	s7 =	simm.s32 @!p0 $0x108  }
0x21: {  	s3 =	sadd.s32 s3, s9;
	s6 =	sadd.s32 @!p0 $0x88, s6;
	s7 =	simm.s32 @p2 $0x1082  }
0x22: {  	[simem:s7], [sflag:s8] =	dma.local @!p0 [hbm:s6], $0xF7A  }
0x23: {  	s9 =	sor.u32 $0xD0000000, s2;
	s6 =	simm.s32 $0x108;
	_ =	swait.ge @!p0 [sflag:s8], $0x0  }
0x24: {  	s3 =	sadd.s32 $0x88, s3;
	s6 =	simm.s32 @!p1 $0x1082;
	[sflag:s4] =	ssyncset.s32 $0xFFFFF086  }
0x25: {  	[simem:s6], [sflag:s4] =	dma.local [hbm:s3], $0xF7A  }
0x26: {  	[smem:$0x3F9E] =	sst s1;
	(tag) =	ssettag s2;
	_ =	strace s9  }
0x27: {  	s1 =	sld [smem:$0x3FAE]  }
0x28: {  	s2 =	sld [smem:$0x3FAF]  }
0x29: {  	s4 =	sld [smem:$0x3FB1]  }
0x2a: {  	p0 =	seq.s32 s5, $0x0;
	s5 =	sld [smem:$0x3FB2]  }
0x2b: {  	s6 =	sld [smem:$0x3FB3]  }
0x2c: {  	s7 =	sld [smem:$0x3FB4]  }
0x2d: {  	s3 =	simm.s32 $0x108;
	s8 =	sld [smem:$0x3FB5]  }
0x2e: {  	s3 =	simm.s32 @!p0 $0x1082;
	s9 =	sld [smem:$0x3FB6]  }
0x2f: {  	lr =	sadd.s32 s0, s3;
	s0 =	sld [smem:$0x3FAD]  }
0x30: {  	s3 =	sld [smem:$0x3FB0]  }
0x31: {  	[smem:$0x3FB9] =	sst s10  }
0x32: {  	s10 =	sld [smem:$0x3FB7];
	_ =	sdelay $0x3  }
0x33: {  	p0 =	seq.s32 s10, $0x1;
	s10 =	sld [smem:$0x3FB9];
	_ =	sdelay $0x3  }
0x34: {  	[smem:$0x3FB9] =	sst s10  }
0x35: {  	s10 =	sld [smem:$0x3FB8];
	_ =	sdelay $0x3  }
0x36: {  	p1 =	seq.s32 s10, $0x1;
	s10 =	sld [smem:$0x3FB9];
	_ =	sdelay $0x3  }
0x37: {  	[smem:$0x3FB9] =	sst s10  }
0x38: {  	s10 =	sld [smem:$0x3FBA]  }
0x39: {  	_ = 	snop;
	(pc) =	sbr.ind lr, $3  }
0x3a: {  	_ = 	snop  }
0x3b: {  	_ = 	snop  }
0x3c: {  	p2 =	seq.s32 s10, $0x1;
	s10 =	sld [smem:$0x3FB9]  }
0x3d: {  	_ =	shalt  }
0x3e: {  	_ =	shalt  }
0x3f: {  	_ =	shalt  }
0x40: {  	_ =	shalt  }
0x41: {  	_ =	shalt  }
0x42: {  	_ =	shalt  }
0x43: {  	_ =	shalt  }
0x44: {  	_ =	shalt  }
0x45: {  	_ =	shalt  }
0x46: {  	_ =	shalt  }
0x47: {  	_ =	shalt  }
0x48: {  	_ =	shalt  }
0x49: {  	_ =	shalt  }
0x4a: {  	_ =	shalt  }
0x4b: {  	_ =	shalt  }
0x4c: {  	_ =	shalt  }
0x4d: {  	_ =	shalt  }
0x4e: {  	_ =	shalt  }
0x4f: {  	_ =	shalt  }
0x50: {  	_ =	shalt  }
0x51: {  	_ =	shalt  }
0x52: {  	_ =	shalt  }
0x53: {  	_ =	shalt  }
0x54: {  	_ =	shalt  }
0x55: {  	_ =	shalt  }
0x56: {  	_ =	shalt  }
0x57: {  	_ =	shalt  }
0x58: {  	_ =	shalt  }
0x59: {  	_ =	shalt  }
0x5a: {  	_ =	shalt  }
0x5b: {  	_ =	shalt  }
0x5c: {  	_ =	shalt  }
0x5d: {  	_ =	shalt  }
0x5e: {  	_ =	shalt  }
0x5f: {  	_ =	shalt  }
0x60: {  	_ =	shalt  }
0x61: {  	_ =	shalt  }
0x62: {  	_ =	shalt  }
0x63: {  	_ =	shalt  }
0x64: {  	_ =	shalt  }
0x65: {  	_ =	shalt  }
0x66: {  	_ =	shalt  }
0x67: {  	_ =	shalt  }
0x68: {  	_ =	shalt  }
0x69: {  	_ =	shalt  }
0x6a: {  	_ =	shalt  }
0x6b: {  	_ =	shalt  }
0x6c: {  	_ =	shalt  }
0x6d: {  	_ =	shalt  }
0x6e: {  	_ =	shalt  }
0x6f: {  	_ =	shalt  }
0x70: {  	_ =	shalt  }
0x71: {  	_ =	shalt  }
0x72: {  	_ =	shalt  }
0x73: {  	_ =	shalt  }
0x74: {  	_ =	shalt  }
0x75: {  	_ =	shalt  }
0x76: {  	_ =	shalt  }
0x77: {  	_ =	shalt  }
0x78: {  	_ =	shalt  }
0x79: {  	_ =	shalt  }
0x7a: {  	_ =	shalt  }
0x7b: {  	_ =	shalt  }
0x7c: {  	_ =	shalt  }
0x7d: {  	_ =	shalt  }
0x7e: {  	_ =	shalt  }
0x7f: {  	_ =	shalt  }
0x80: {  	_ =	shalt  }
0x81: {  	_ =	shalt  }
0x82: {  	_ =	shalt  }
0x83: {  	_ =	shalt  }
0x84: {  	_ =	shalt  }
0x85: {  	_ =	shalt  }
0x86: {  	_ =	shalt  }
0x87: {  	_ =	shalt  }
.Lfunc_end0:
.L_simem_size_0:
called_computation_lowered:
.L_overlay_start_0:
0x88: {  	s2 =	sld [smem:$0x3FD9]  }
0x89: {  	s3 =	sld [smem:$0x3FFE];
	_ =	sdelay $0x1  }
0x8a: {  	s1 =	srdreg.scid  }
0x8b: {  	s0 =	sand.u32 $0x1, s1  }
0x8c: {  	s17 =	sshll.u32 s0, $0xA;
	s2 =	sadd.s32 s3, s2  }
0x8d: {  	s2 =	sadd.s32 s2, s17  }
0x8e: {  	[smem:$0x3FC5] =	sst s2  }
0x8f: {  	_ = 	snop  }
0x90: {  	s2 =	sld [smem:$0x3FC9];
	(tm) =	ssettm $0x1  }
0x91: {  	s18 =	sld [smem:$0x3FFB];
	_ =	sdelay $0x3  }
0x92: {  	_ =	strace s18  }
0x93: {  	s3 =	sld [smem:$0x3FFC];
	_ =	sdelay $0x3  }
0x94: {  	_ =	strace s3  }
0x95: {  	s3 =	sld [smem:$0x3FFD];
	_ =	sdelay $0x3  }
0x96: {  	_ =	strace s3  }
0x97: {  	_ =	strace $0x8FFFFFFF  }
0x98: {  	s19 =	sld [smem:$0x3FDB];
	_ =	sdelay $0x1  }
0x99: {  	s4 =	simm.s32 $_scs_section_size  }
0x9a: {  	s5 =	simm.s32 $_size__tile_overlayer_lowered;
	s6 =	simm.s32 $_tile_overlayer_lowered  }
0x9b: {  	s22 =	simm.s32 $0x1BFF;
	s21 =	sshll.u32 s6, $0x1;
	s3 =	sadd.s32 s4, s19  }
0x9c: {  	s7 =	simm.s32 $0x0;
	s20 =	sshll.u32 s5, $0x1;
	s5 =	sadd.s32 s21, s3  }
0x9d: {  	[timem:s7], [sflag:s22] =	dma.local [hbm:s5], s20  }
0x9e: {  	_ =	swait.ge [sflag:s22], s20  }
0x9f: {  	s4 =	ssub.s32 $0x0, s20;
	[sflag:s22] =	ssyncset.done $0x0  }
0xa0: {  	[sflag:s22] =	ssyncadd.s32 s4;
	_ =	sdelay $0x1  }
0xa1: {  	s23 =	simm.s32 $0x1B8B  }
0xa2: {  	_ =	swait.ge [sflag:s23], $0x1  }
0xa3: {  	[sflag:s23] =	ssyncset.done $0x0  }
0xa4: {  	s25 =	simm.s32 $0x1B8E;
	s24 =	sld [smem:$0x3FFE];
	[sflag:s23] =	ssyncadd.s32 $0xFFFFFFFF  }
0xa5: {  	s26 =	simm.s32 $execute0_lowered;
	[smem:$0x3FD2] =	sst s25  }
0xa6: {  	s5 =	sshll.u32 s26, $0x1;
	_ =	strace $0x80000046;
	[dreg:$0x1] =	wrdreg $0xFFFFFFFF  }
0xa7: {  	s28 =	simm.s32 $_size_execute0_lowered;
	s3 =	sadd.s32 s3, s5;
	[dreg:$0x0] =	wrdreg $0x0  }
0xa8: {  	s5 =	sshll.u32 s28, $0x1;
	[dreg:$0x2] =	wrdreg s3  }
0xa9: {  	[dreg:$0x3] =	wrdreg s5  }
0xaa: {  	[dreg:$0x4] =	wrdreg $0xC0  }
0xab: {  	_ =	task [dreg:s7], $0x5FFFF  }
0xac: {  	[dreg:$0x1] =	wrdreg $0xFFFFFFFF  }
0xad: {  	[dreg:$0x0] =	wrdreg $0x60  }
0xae: {  	[dreg:$0x2] =	wrdreg s2  }
0xaf: {  	[dreg:$0x3] =	wrdreg s24  }
0xb0: {  	[dreg:$0x4] =	wrdreg $0x9  }
0xb1: {  	_ =	task.clear_ibuf [dreg:s7], $0x5FFFF;
	_ =	strace $0x90000046  }
0xb2: {  	s29 =	simm.s32 $0x9;
	_ =	strace $0x80000048  }
0xb3: {  	_ =	swait.ge [sflag:s29], $0x1  }
0xb4: {  	[sflag:s29] =	ssyncadd.s32 $0xFFFFFFFF  }
0xb5: {  	_ =	strace $0x90000048  }
0xb6: {  	_ =	sfence  }
0xb7: {  	s30 =	sld [smem:$0x0];
	_ =	sdelay $0x2  }
0xb8: {  	s31 =	sshll.u32 s1, $0xD;
	s1 =	sshrl.u32 s1, $0x2  }
0xb9: {  	s3 =	sand.u32 $0x4000, s31;
	s1 =	sadd.s32 s1, s30  }
0xba: {  	s0 =	sor.u32 s3, s0;
	s1 =	sshll.u32 s1, $0x11  }
0xbb: {  	s0 =	sor.u32 s1, s0  }
0xbc: {  	s0 =	sadd.s32 $0x8F2B, s0  }
0xbd: {  	[sflag:s0] =	ssyncadd.remote.s32 $0x1  }
0xbe: {  	_ =	sfence.sel $0xFFFF  }
0xbf: {  	[dreg:$0x0] =	wrdreg $0xFFFFFFFF;
	(pc) =	sbr.abs _section_cstart, $3  }
0xc0: {  	[dreg:$0x1] =	wrdreg $0xFFFFFFFF  }
0xc1: {  	_ =	task.clear_ibuf [dreg:s7], $0x2FFFF;
	_ =	strace $0x9FFFFFFF  }
0xc2: {  	(tm) =	ssettm $0x7FFFFFFF  }
0xc3: {  	_ =	shalt  }
tec
execute0_lowered:
.L_overlay_start_1:
0x0: {  	(tag) =	ssettag $0x1  }
0x1: {  	s1 =	rddreg [dreg:$0x0]  }
0x2: {  	s0 =	rddreg [dreg:$0x1];
	s3 =	srdreg.scid;
	s2 =	simm.s32 $0x0  }
0x3: {  	s5 =	stileid.u32;
	s28 =	simm.s32 $0x100;
	s4 =	sand.u32 $0x1, s3  }
0x4: {  	[smem:$0x7FF] =	sst s2;
	s24 =	sshll.u32 s5, $0x9;
	s6 =	sadd.s32 $0x1000, s0  }
0x5: {  	s3 =	sadd.s32 $0x1400, s0;
	s25 =	sshll.u32 s4, $0x8;
	s4 =	ssub.s32 $0x2, s4  }
0x6: {  	_ =	strace $0x80000047;
	s5 =	sor.u32 s25, s24;
	s18 =	sshrl.u32 s4, $0x1  }
0x7: {  	s7 =	sshrl.u32 s5, $0x3;
	s8 =	sshll.u32 s5, $0x7;
	s9 =	sor.u32 $0x20, s5  }
0x8: {  	s11 =	sor.u32 $0x60, s5;
	s17 =	sor.u32 $0x80, s5;
	s25 =	sor.u32 $0xC0, s5  }
0x9: {  	s7 =	sadd.s32 s6, s7;
	s26 =	sadd.s32 s1, s8;
	s29 =	sshrl.u32 s9, $0x3  }
0xa: {  	s31 =	sshll.u32 s9, $0x7;
	s9 =	sor.u32 $0x40, s5;
	s13 =	sshrl.u32 s11, $0x3  }
0xb: {  	s15 =	sshll.u32 s11, $0x7;
	s19 =	sshrl.u32 s17, $0x3;
	[dreg:$0x3] =	wrdreg s7  }
0xc: {  	[dreg:$0x4] =	wrdreg s26;
	s30 =	sadd.s32 s6, s29;
	s8 =	sadd.s32 s1, s31  }
0xd: {  	s10 =	sshrl.u32 s9, $0x3;
	s14 =	sadd.s32 s6, s13;
	[dreg:$0x5] =	wrdreg s30  }
0xe: {  	s16 =	sadd.s32 s1, s15;
	s26 =	sshrl.u32 s25, $0x3;
	[dreg:$0x6] =	wrdreg s8  }
0xf: {  	s29 =	sshll.u32 s25, $0x7;
	s7 =	sadd.s32 s6, s10;
	[dreg:$0x9] =	wrdreg s14  }
0x10: {  	s8 =	sshll.u32 s9, $0x7;
	[dreg:$0xa] =	wrdreg s16;
	s10 =	sor.u32 $0xA0, s5  }
0x11: {  	s9 =	ssub.s32 s4, s18;
	s4 =	sadd.s32 s6, s26;
	s5 =	sor.u32 $0xE0, s5  }
0x12: {  	s30 =	sadd.s32 s1, s29;
	s26 =	simm.s32 $0x8100;
	[dreg:$0x7] =	wrdreg s7  }
0x13: {  	s12 =	sadd.s32 s1, s8;
	s7 =	sadd.s32 s6, s19;
	[dreg:$0xf] =	wrdreg s4  }
0x14: {  	s8 =	sshll.u32 s17, $0x7;
	s21 =	sshrl.u32 s10, $0x3;
	[dreg:$0x10] =	wrdreg s30  }
0x15: {  	s23 =	sshll.u32 s10, $0x7;
	s31 =	sshrl.u32 s5, $0x3;
	[dreg:$0x8] =	wrdreg s12  }
0x16: {  	s5 =	sshll.u32 s5, $0x7;
	[dreg:$0xb] =	wrdreg s7;
	s20 =	sadd.s32 s1, s8  }
0x17: {  	s4 =	sadd.s32 $0x1500, s0;
	s22 =	sadd.s32 s6, s21;
	[dreg:$0xc] =	wrdreg s20  }
0x18: {  	s19 =	simm.s32 $0x1;
	s24 =	sadd.s32 s1, s23;
	[dreg:$0xd] =	wrdreg s22  }
0x19: {  	v2 =	vlaneseq.u32;
	s6 =	sadd.s32 s6, s31;
	s1 =	sadd.s32 s1, s5;
	[dreg:$0xe] =	wrdreg s24  }
0x1a: {  	vm0 =	vmmov $0xffff;
	v1 =	vshrl.u32 v2, $0x3;
	s5 =	sadd.s32 $0x1600, s0;
	s7 =	smax.u32 s9, $0x1;
	[dreg:$0x11] =	wrdreg s6  }
0x1b: {  	v0 =	vand.u32 $0x7, v2;
	v2 =	vor.u32 $0x8, v2;
	v1 =	vmul.u32 $0x8, v1;
	s8 =	simm.s32 $0x2;
	s6 =	sadd.s32 $0x1700, s0;
	[dreg:$0x12] =	wrdreg s1  }
.LBB2_1:
0x1c: {  	s20 =	rddreg [dreg:$0x3]  }
0x1d: {  	[tilespmem:s2], [sflag:$0x2] =	stream.linear.gather [hbm4b:s20+s2], $0x20, $0x38;
	[tilespmem:$0x10100] =	vst v63  }
0x1e: {  	_ =	swait.ge [sflag:s8], $0x20  }
0x1f: {  	[sflag:s8] =	ssyncset.done $0x0  }
0x20: {  	s1 =	rddreg [dreg:$0x4];
	[sflag:s8] =	ssyncadd.s32 $0xFFFFFFE0  }
0x21: {  	[tilespmem:s28], [sflag:$0x2] =	stream.linear.gather [hbm4b:s1+s2], $0x8000, $0x38;
	[tilespmem:$0x10100] =	vst v63  }
0x22: {  	_ =	swait.ge [sflag:s8], $0x8000  }
0x23: {  	[sflag:s8] =	ssyncset.done $0x0  }
0x24: {  	[sflag:s8] =	ssyncadd.s32 $0xFFFF8000  }
0x25: {  	v3 =	vld [tilespmem:$0x0];
	_ =	sdelay $0x4  }
0x26: {  	v4 =	vshll.u32 v3, $0x3  }
0x27: {  	v3 =	vand.u32 $0x7, v3;
	v4 =	vand.u32 $0xFFFFFFC0, v4  }
0x28: {  	v3 =	vor.u32 v3, v4  }
0x29: {  	v4 =	vperm.xlane v3, v0;
	_ =	sdelay $0x1  }
0x2a: {  	v4 =	vadd.s32 v1, v4;
	_ =	sdelay $0x4  }
0x2b: {  	[hbm4b:s3+s2] =	stream.indirect_vreg.scatter [tilespmem:s28], [sflag:$0x1], $0x80, v4, vm0, $0xb8;
	[tilespmem:$0x10100] =	vst v63  }
0x2c: {  	s0 =	simm.s32 $0x900;
	v3 =	vperm.xlane v3, v2  }
0x2d: {  	[hbm4b:s4+s2] =	stream.indirect_vreg.scatter [tilespmem:s0], [sflag:$0x1], $0x80, v4, vm0, $0xb8;
	[tilespmem:$0x10100] =	vst v63  }
0x2e: {  	s9 =	simm.s32 $0x1100;
	v3 =	vadd.s32 v1, v3  }
0x2f: {  	[hbm4b:s5+s2] =	stream.indirect_vreg.scatter [tilespmem:s9], [sflag:$0x1], $0x80, v4, vm0, $0xb8;
	[tilespmem:$0x10100] =	vst v63  }
0x30: {  	s11 =	simm.s32 $0x1900  }
0x31: {  	[hbm4b:s6+s2] =	stream.indirect_vreg.scatter [tilespmem:s11], [sflag:$0x1], $0x80, v4, vm0, $0xb8;
	[tilespmem:$0x10100] =	vst v63  }
0x32: {  	s12 =	simm.s32 $0x2100  }
0x33: {  	[hbm4b:s3+s2] =	stream.indirect_vreg.scatter [tilespmem:s12], [sflag:$0x1], $0x80, v3, vm0, $0xb8;
	[tilespmem:$0x10100] =	vst v63  }
0x34: {  	s13 =	simm.s32 $0x2900  }
0x35: {  	[hbm4b:s4+s2] =	stream.indirect_vreg.scatter [tilespmem:s13], [sflag:$0x1], $0x80, v3, vm0, $0xb8;
	[tilespmem:$0x10100] =	vst v63  }
0x36: {  	s14 =	simm.s32 $0x3100  }
0x37: {  	[hbm4b:s5+s2] =	stream.indirect_vreg.scatter [tilespmem:s14], [sflag:$0x1], $0x80, v3, vm0, $0xb8;
	[tilespmem:$0x10100] =	vst v63  }
0x38: {  	s15 =	simm.s32 $0x3900  }
0x39: {  	[hbm4b:s6+s2] =	stream.indirect_vreg.scatter [tilespmem:s15], [sflag:$0x1], $0x80, v3, vm0, $0xb8;
	[tilespmem:$0x10100] =	vst v63  }
0x3a: {  	v3 =	vld [tilespmem:$0x10];
	_ =	sdelay $0x4  }
0x3b: {  	v49 =	vshll.u32 v3, $0x3  }
0x3c: {  	v3 =	vand.u32 $0x7, v3;
	v4 =	vand.u32 $0xFFFFFFC0, v49  }
0x3d: {  	v3 =	vor.u32 v3, v4  }
0x3e: {  	v4 =	vperm.xlane v3, v0;
	_ =	sdelay $0x1  }
0x3f: {  	v4 =	vadd.s32 v1, v4;
	_ =	sdelay $0x3  }
0x40: {  	s16 =	simm.s32 $0x4100  }
0x41: {  	[hbm4b:s3+s2] =	stream.indirect_vreg.scatter [tilespmem:s16], [sflag:$0x1], $0x80, v4, vm0, $0xb8;
	[tilespmem:$0x10100] =	vst v63  }
0x42: {  	s17 =	simm.s32 $0x4900;
	v3 =	vperm.xlane v3, v2  }
0x43: {  	[hbm4b:s4+s2] =	stream.indirect_vreg.scatter [tilespmem:s17], [sflag:$0x1], $0x80, v4, vm0, $0xb8;
	[tilespmem:$0x10100] =	vst v63  }
0x44: {  	s18 =	simm.s32 $0x5100;
	v3 =	vadd.s32 v1, v3  }
0x45: {  	[hbm4b:s5+s2] =	stream.indirect_vreg.scatter [tilespmem:s18], [sflag:$0x1], $0x80, v4, vm0, $0xb8;
	[tilespmem:$0x10100] =	vst v63  }
0x46: {  	s20 =	simm.s32 $0x5900  }
0x47: {  	[hbm4b:s6+s2] =	stream.indirect_vreg.scatter [tilespmem:s20], [sflag:$0x1], $0x80, v4, vm0, $0xb8;
	[tilespmem:$0x10100] =	vst v63  }
0x48: {  	s21 =	simm.s32 $0x6100  }
0x49: {  	[hbm4b:s3+s2] =	stream.indirect_vreg.scatter [tilespmem:s21], [sflag:$0x1], $0x80, v3, vm0, $0xb8;
	[tilespmem:$0x10100] =	vst v63  }
0x4a: {  	s22 =	simm.s32 $0x6900  }
0x4b: {  	[hbm4b:s4+s2] =	stream.indirect_vreg.scatter [tilespmem:s22], [sflag:$0x1], $0x80, v3, vm0, $0xb8;
	[tilespmem:$0x10100] =	vst v63  }
0x4c: {  	s23 =	simm.s32 $0x7100  }
0x4d: {  	[hbm4b:s5+s2] =	stream.indirect_vreg.scatter [tilespmem:s23], [sflag:$0x1], $0x80, v3, vm0, $0xb8;
	[tilespmem:$0x10100] =	vst v63  }
0x4e: {  	s25 =	simm.s32 $0x7900  }
0x4f: {  	[hbm4b:s6+s2] =	stream.indirect_vreg.scatter [tilespmem:s25], [sflag:$0x1], $0x80, v3, vm0, $0xb8;
	[tilespmem:$0x10100] =	vst v63  }
0x50: {  	s29 =	simm.s32 $0x80;
	s24 =	rddreg [dreg:$0x5]  }
0x51: {  	[tilespmem:s29], [sflag:$0x2] =	stream.linear.gather [hbm4b:s24+s2], $0x20, $0x38;
	[tilespmem:$0x10100] =	vst v63  }
0x52: {  	_ =	swait.ge [sflag:s8], $0x20  }
0x53: {  	[sflag:s8] =	ssyncset.done $0x0  }
0x54: {  	s30 =	rddreg [dreg:$0x6];
	[sflag:s8] =	ssyncadd.s32 $0xFFFFFFE0  }
0x55: {  	[tilespmem:s26], [sflag:$0x2] =	stream.linear.gather [hbm4b:s30+s2], $0x8000, $0x38;
	[tilespmem:$0x10100] =	vst v63  }
0x56: {  	_ =	swait.ge [sflag:s8], $0x8000  }
0x57: {  	[sflag:s8] =	ssyncset.done $0x0  }
0x58: {  	[sflag:s8] =	ssyncadd.s32 $0xFFFF8000  }
0x59: {  	v3 =	vld [tilespmem:$0x80];
	_ =	sdelay $0x4  }
0x5a: {  	v50 =	vshll.u32 v3, $0x3  }
0x5b: {  	v3 =	vand.u32 $0x7, v3;
	v4 =	vand.u32 $0xFFFFFFC0, v50  }
0x5c: {  	v3 =	vor.u32 v3, v4  }
0x5d: {  	v4 =	vperm.xlane v3, v0;
	_ =	sdelay $0x1  }
0x5e: {  	v4 =	vadd.s32 v1, v4;
	_ =	sdelay $0x4  }
0x5f: {  	[hbm4b:s3+s2] =	stream.indirect_vreg.scatter [tilespmem:s26], [sflag:$0x1], $0x80, v4, vm0, $0xb8;
	[tilespmem:$0x10100] =	vst v63  }
0x60: {  	s31 =	simm.s32 $0x8900;
	v3 =	vperm.xlane v3, v2  }
0x61: {  	[hbm4b:s4+s2] =	stream.indirect_vreg.scatter [tilespmem:s31], [sflag:$0x1], $0x80, v4, vm0, $0xb8;
	[tilespmem:$0x10100] =	vst v63  }
0x62: {  	s11 =	simm.s32 $0x9100;
	v3 =	vadd.s32 v1, v3  }
0x63: {  	[hbm4b:s5+s2] =	stream.indirect_vreg.scatter [tilespmem:s11], [sflag:$0x1], $0x80, v4, vm0, $0xb8;
	[tilespmem:$0x10100] =	vst v63  }
0x64: {  	s16 =	simm.s32 $0x9900  }
0x65: {  	[hbm4b:s6+s2] =	stream.indirect_vreg.scatter [tilespmem:s16], [sflag:$0x1], $0x80, v4, vm0, $0xb8;
	[tilespmem:$0x10100] =	vst v63  }
0x66: {  	s17 =	simm.s32 $0xA100  }
0x67: {  	[hbm4b:s3+s2] =	stream.indirect_vreg.scatter [tilespmem:s17], [sflag:$0x1], $0x80, v3, vm0, $0xb8;
	[tilespmem:$0x10100] =	vst v63  }
0x68: {  	s18 =	simm.s32 $0xA900  }
0x69: {  	[hbm4b:s4+s2] =	stream.indirect_vreg.scatter [tilespmem:s18], [sflag:$0x1], $0x80, v3, vm0, $0xb8;
	[tilespmem:$0x10100] =	vst v63  }
0x6a: {  	s21 =	simm.s32 $0xB100  }
0x6b: {  	[hbm4b:s5+s2] =	stream.indirect_vreg.scatter [tilespmem:s21], [sflag:$0x1], $0x80, v3, vm0, $0xb8;
	[tilespmem:$0x10100] =	vst v63  }
0x6c: {  	s22 =	simm.s32 $0xB900  }
0x6d: {  	[hbm4b:s6+s2] =	stream.indirect_vreg.scatter [tilespmem:s22], [sflag:$0x1], $0x80, v3, vm0, $0xb8;
	[tilespmem:$0x10100] =	vst v63  }
0x6e: {  	v3 =	vld [tilespmem:$0x90];
	_ =	sdelay $0x4  }
0x6f: {  	v51 =	vshll.u32 v3, $0x3  }
0x70: {  	v3 =	vand.u32 $0x7, v3;
	v4 =	vand.u32 $0xFFFFFFC0, v51  }
0x71: {  	v3 =	vor.u32 v3, v4  }
0x72: {  	v4 =	vperm.xlane v3, v0;
	_ =	sdelay $0x1  }
0x73: {  	v4 =	vadd.s32 v1, v4;
	_ =	sdelay $0x3  }
0x74: {  	s23 =	simm.s32 $0xC100  }
0x75: {  	[hbm4b:s3+s2] =	stream.indirect_vreg.scatter [tilespmem:s23], [sflag:$0x1], $0x80, v4, vm0, $0xb8;
	[tilespmem:$0x10100] =	vst v63  }
0x76: {  	s24 =	simm.s32 $0xC900;
	v3 =	vperm.xlane v3, v2  }
0x77: {  	[hbm4b:s4+s2] =	stream.indirect_vreg.scatter [tilespmem:s24], [sflag:$0x1], $0x80, v4, vm0, $0xb8;
	[tilespmem:$0x10100] =	vst v63  }
0x78: {  	s25 =	simm.s32 $0xD100;
	v3 =	vadd.s32 v1, v3  }
0x79: {  	[hbm4b:s5+s2] =	stream.indirect_vreg.scatter [tilespmem:s25], [sflag:$0x1], $0x80, v4, vm0, $0xb8;
	[tilespmem:$0x10100] =	vst v63  }
0x7a: {  	s0 =	simm.s32 $0xD900  }
0x7b: {  	[hbm4b:s6+s2] =	stream.indirect_vreg.scatter [tilespmem:s0], [sflag:$0x1], $0x80, v4, vm0, $0xb8;
	[tilespmem:$0x10100] =	vst v63  }
0x7c: {  	s11 =	simm.s32 $0xE100  }
0x7d: {  	[hbm4b:s3+s2] =	stream.indirect_vreg.scatter [tilespmem:s11], [sflag:$0x1], $0x80, v3, vm0, $0xb8;
	[tilespmem:$0x10100] =	vst v63  }
0x7e: {  	s16 =	simm.s32 $0xE900  }
0x7f: {  	[hbm4b:s4+s2] =	stream.indirect_vreg.scatter [tilespmem:s16], [sflag:$0x1], $0x80, v3, vm0, $0xb8;
	[tilespmem:$0x10100] =	vst v63  }
0x80: {  	s17 =	simm.s32 $0xF100  }
0x81: {  	[hbm4b:s5+s2] =	stream.indirect_vreg.scatter [tilespmem:s17], [sflag:$0x1], $0x80, v3, vm0, $0xb8;
	[tilespmem:$0x10100] =	vst v63  }
0x82: {  	s23 =	simm.s32 $0xF900  }
0x83: {  	[hbm4b:s6+s2] =	stream.indirect_vreg.scatter [tilespmem:s23], [sflag:$0x1], $0x80, v3, vm0, $0xb8;
	[tilespmem:$0x10100] =	vst v63  }
0x84: {  	_ =	swait.ge [sflag:s19], $0x8000  }
0x85: {  	[sflag:s19] =	ssyncset.done $0x0  }
0x86: {  	s24 =	rddreg [dreg:$0x7];
	[sflag:s19] =	ssyncadd.s32 $0xFFFF8000  }
0x87: {  	[tilespmem:s2], [sflag:$0x2] =	stream.linear.gather [hbm4b:s24+s2], $0x20, $0x38;
	[tilespmem:$0x10100] =	vst v63  }
0x88: {  	_ =	swait.ge [sflag:s8], $0x20  }
0x89: {  	[sflag:s8] =	ssyncset.done $0x0  }
0x8a: {  	s25 =	rddreg [dreg:$0x8];
	[sflag:s8] =	ssyncadd.s32 $0xFFFFFFE0  }
0x8b: {  	[tilespmem:s28], [sflag:$0x2] =	stream.linear.gather [hbm4b:s25+s2], $0x8000, $0x38;
	[tilespmem:$0x10100] =	vst v63  }
0x8c: {  	_ =	swait.ge [sflag:s8], $0x8000  }
0x8d: {  	[sflag:s8] =	ssyncset.done $0x0  }
0x8e: {  	[sflag:s8] =	ssyncadd.s32 $0xFFFF8000  }
0x8f: {  	v3 =	vld [tilespmem:$0x0];
	_ =	sdelay $0x4  }
0x90: {  	v52 =	vshll.u32 v3, $0x3  }
0x91: {  	v3 =	vand.u32 $0x7, v3;
	v4 =	vand.u32 $0xFFFFFFC0, v52  }
0x92: {  	v3 =	vor.u32 v3, v4  }
0x93: {  	v4 =	vperm.xlane v3, v0;
	_ =	sdelay $0x1  }
0x94: {  	v4 =	vadd.s32 v1, v4;
	_ =	sdelay $0x4  }
0x95: {  	[hbm4b:s3+s2] =	stream.indirect_vreg.scatter [tilespmem:s28], [sflag:$0x1], $0x80, v4, vm0, $0xb8;
	[tilespmem:$0x10100] =	vst v63  }
0x96: {  	s10 =	simm.s32 $0x900;
	v3 =	vperm.xlane v3, v2  }
0x97: {  	[hbm4b:s4+s2] =	stream.indirect_vreg.scatter [tilespmem:s10], [sflag:$0x1], $0x80, v4, vm0, $0xb8;
	[tilespmem:$0x10100] =	vst v63  }
0x98: {  	s9 =	simm.s32 $0x1100;
	v3 =	vadd.s32 v1, v3  }
0x99: {  	[hbm4b:s5+s2] =	stream.indirect_vreg.scatter [tilespmem:s9], [sflag:$0x1], $0x80, v4, vm0, $0xb8;
	[tilespmem:$0x10100] =	vst v63  }
0x9a: {  	s25 =	simm.s32 $0x1900  }
0x9b: {  	[hbm4b:s6+s2] =	stream.indirect_vreg.scatter [tilespmem:s25], [sflag:$0x1], $0x80, v4, vm0, $0xb8;
	[tilespmem:$0x10100] =	vst v63  }
0x9c: {  	s10 =	simm.s32 $0x2100  }
0x9d: {  	[hbm4b:s3+s2] =	stream.indirect_vreg.scatter [tilespmem:s10], [sflag:$0x1], $0x80, v3, vm0, $0xb8;
	[tilespmem:$0x10100] =	vst v63  }
0x9e: {  	s11 =	simm.s32 $0x2900  }
0x9f: {  	[hbm4b:s4+s2] =	stream.indirect_vreg.scatter [tilespmem:s11], [sflag:$0x1], $0x80, v3, vm0, $0xb8;
	[tilespmem:$0x10100] =	vst v63  }
0xa0: {  	s12 =	simm.s32 $0x3100  }
0xa1: {  	[hbm4b:s5+s2] =	stream.indirect_vreg.scatter [tilespmem:s12], [sflag:$0x1], $0x80, v3, vm0, $0xb8;
	[tilespmem:$0x10100] =	vst v63  }
0xa2: {  	s13 =	simm.s32 $0x3900  }
0xa3: {  	[hbm4b:s6+s2] =	stream.indirect_vreg.scatter [tilespmem:s13], [sflag:$0x1], $0x80, v3, vm0, $0xb8;
	[tilespmem:$0x10100] =	vst v63  }
0xa4: {  	v3 =	vld [tilespmem:$0x10];
	_ =	sdelay $0x4  }
0xa5: {  	v53 =	vshll.u32 v3, $0x3  }
0xa6: {  	v3 =	vand.u32 $0x7, v3;
	v4 =	vand.u32 $0xFFFFFFC0, v53  }
0xa7: {  	v3 =	vor.u32 v3, v4  }
0xa8: {  	v4 =	vperm.xlane v3, v0;
	_ =	sdelay $0x1  }
0xa9: {  	v4 =	vadd.s32 v1, v4;
	_ =	sdelay $0x3  }
0xaa: {  	s14 =	simm.s32 $0x4100  }
0xab: {  	[hbm4b:s3+s2] =	stream.indirect_vreg.scatter [tilespmem:s14], [sflag:$0x1], $0x80, v4, vm0, $0xb8;
	[tilespmem:$0x10100] =	vst v63  }
0xac: {  	s15 =	simm.s32 $0x4900;
	v3 =	vperm.xlane v3, v2  }
0xad: {  	[hbm4b:s4+s2] =	stream.indirect_vreg.scatter [tilespmem:s15], [sflag:$0x1], $0x80, v4, vm0, $0xb8;
	[tilespmem:$0x10100] =	vst v63  }
0xae: {  	s12 =	simm.s32 $0x5100;
	v3 =	vadd.s32 v1, v3  }
0xaf: {  	[hbm4b:s5+s2] =	stream.indirect_vreg.scatter [tilespmem:s12], [sflag:$0x1], $0x80, v4, vm0, $0xb8;
	[tilespmem:$0x10100] =	vst v63  }
0xb0: {  	s13 =	simm.s32 $0x5900  }
0xb1: {  	[hbm4b:s6+s2] =	stream.indirect_vreg.scatter [tilespmem:s13], [sflag:$0x1], $0x80, v4, vm0, $0xb8;
	[tilespmem:$0x10100] =	vst v63  }
0xb2: {  	s14 =	simm.s32 $0x6100  }
0xb3: {  	[hbm4b:s3+s2] =	stream.indirect_vreg.scatter [tilespmem:s14], [sflag:$0x1], $0x80, v3, vm0, $0xb8;
	[tilespmem:$0x10100] =	vst v63  }
0xb4: {  	s15 =	simm.s32 $0x6900  }
0xb5: {  	[hbm4b:s4+s2] =	stream.indirect_vreg.scatter [tilespmem:s15], [sflag:$0x1], $0x80, v3, vm0, $0xb8;
	[tilespmem:$0x10100] =	vst v63  }
0xb6: {  	s16 =	simm.s32 $0x7100  }
0xb7: {  	[hbm4b:s5+s2] =	stream.indirect_vreg.scatter [tilespmem:s16], [sflag:$0x1], $0x80, v3, vm0, $0xb8;
	[tilespmem:$0x10100] =	vst v63  }
0xb8: {  	s17 =	simm.s32 $0x7900  }
0xb9: {  	[hbm4b:s6+s2] =	stream.indirect_vreg.scatter [tilespmem:s17], [sflag:$0x1], $0x80, v3, vm0, $0xb8;
	[tilespmem:$0x10100] =	vst v63  }
0xba: {  	_ =	swait.ge [sflag:s19], $0x8000  }
0xbb: {  	[sflag:s19] =	ssyncset.done $0x0  }
0xbc: {  	s1 =	simm.s32 $0x80;
	s0 =	rddreg [dreg:$0x9];
	[sflag:s19] =	ssyncadd.s32 $0xFFFF8000  }
0xbd: {  	[tilespmem:s1], [sflag:$0x2] =	stream.linear.gather [hbm4b:s0+s2], $0x20, $0x38;
	[tilespmem:$0x10100] =	vst v63  }
0xbe: {  	_ =	swait.ge [sflag:s8], $0x20  }
0xbf: {  	[sflag:s8] =	ssyncset.done $0x0  }
0xc0: {  	s9 =	rddreg [dreg:$0xa];
	[sflag:s8] =	ssyncadd.s32 $0xFFFFFFE0  }
0xc1: {  	[tilespmem:s26], [sflag:$0x2] =	stream.linear.gather [hbm4b:s9+s2], $0x8000, $0x38;
	[tilespmem:$0x10100] =	vst v63  }
0xc2: {  	_ =	swait.ge [sflag:s8], $0x8000  }
0xc3: {  	[sflag:s8] =	ssyncset.done $0x0  }
0xc4: {  	[sflag:s8] =	ssyncadd.s32 $0xFFFF8000  }
0xc5: {  	v3 =	vld [tilespmem:$0x80];
	_ =	sdelay $0x4  }
0xc6: {  	v54 =	vshll.u32 v3, $0x3  }
0xc7: {  	v3 =	vand.u32 $0x7, v3;
	v4 =	vand.u32 $0xFFFFFFC0, v54  }
0xc8: {  	v3 =	vor.u32 v3, v4  }
0xc9: {  	v4 =	vperm.xlane v3, v0;
	_ =	sdelay $0x1  }
0xca: {  	v4 =	vadd.s32 v1, v4;
	_ =	sdelay $0x4  }
0xcb: {  	[hbm4b:s3+s2] =	stream.indirect_vreg.scatter [tilespmem:s26], [sflag:$0x1], $0x80, v4, vm0, $0xb8;
	[tilespmem:$0x10100] =	vst v63  }
0xcc: {  	s9 =	simm.s32 $0x8900;
	v3 =	vperm.xlane v3, v2  }
0xcd: {  	[hbm4b:s4+s2] =	stream.indirect_vreg.scatter [tilespmem:s9], [sflag:$0x1], $0x80, v4, vm0, $0xb8;
	[tilespmem:$0x10100] =	vst v63  }
0xce: {  	s0 =	simm.s32 $0x9100;
	v3 =	vadd.s32 v1, v3  }
0xcf: {  	[hbm4b:s5+s2] =	stream.indirect_vreg.scatter [tilespmem:s0], [sflag:$0x1], $0x80, v4, vm0, $0xb8;
	[tilespmem:$0x10100] =	vst v63  }
0xd0: {  	s1 =	simm.s32 $0x9900  }
0xd1: {  	[hbm4b:s6+s2] =	stream.indirect_vreg.scatter [tilespmem:s1], [sflag:$0x1], $0x80, v4, vm0, $0xb8;
	[tilespmem:$0x10100] =	vst v63  }
0xd2: {  	s31 =	simm.s32 $0xA100  }
0xd3: {  	[hbm4b:s3+s2] =	stream.indirect_vreg.scatter [tilespmem:s31], [sflag:$0x1], $0x80, v3, vm0, $0xb8;
	[tilespmem:$0x10100] =	vst v63  }
0xd4: {  	s29 =	simm.s32 $0xA900  }
0xd5: {  	[hbm4b:s4+s2] =	stream.indirect_vreg.scatter [tilespmem:s29], [sflag:$0x1], $0x80, v3, vm0, $0xb8;
	[tilespmem:$0x10100] =	vst v63  }
0xd6: {  	s30 =	simm.s32 $0xB100  }
0xd7: {  	[hbm4b:s5+s2] =	stream.indirect_vreg.scatter [tilespmem:s30], [sflag:$0x1], $0x80, v3, vm0, $0xb8;
	[tilespmem:$0x10100] =	vst v63  }
0xd8: {  	s18 =	simm.s32 $0xB900  }
0xd9: {  	[hbm4b:s6+s2] =	stream.indirect_vreg.scatter [tilespmem:s18], [sflag:$0x1], $0x80, v3, vm0, $0xb8;
	[tilespmem:$0x10100] =	vst v63  }
0xda: {  	v3 =	vld [tilespmem:$0x90];
	_ =	sdelay $0x4  }
0xdb: {  	v55 =	vshll.u32 v3, $0x3  }
0xdc: {  	v3 =	vand.u32 $0x7, v3;
	v4 =	vand.u32 $0xFFFFFFC0, v55  }
0xdd: {  	v3 =	vor.u32 v3, v4  }
0xde: {  	v4 =	vperm.xlane v3, v0;
	_ =	sdelay $0x1  }
0xdf: {  	v4 =	vadd.s32 v1, v4;
	_ =	sdelay $0x3  }
0xe0: {  	s21 =	simm.s32 $0xC100  }
0xe1: {  	[hbm4b:s3+s2] =	stream.indirect_vreg.scatter [tilespmem:s21], [sflag:$0x1], $0x80, v4, vm0, $0xb8;
	[tilespmem:$0x10100] =	vst v63  }
0xe2: {  	s22 =	simm.s32 $0xC900;
	v3 =	vperm.xlane v3, v2  }
0xe3: {  	[hbm4b:s4+s2] =	stream.indirect_vreg.scatter [tilespmem:s22], [sflag:$0x1], $0x80, v4, vm0, $0xb8;
	[tilespmem:$0x10100] =	vst v63  }
0xe4: {  	v3 =	vadd.s32 v1, v3;
	s21 =	simm.s32 $0xD100  }
0xe5: {  	[hbm4b:s5+s2] =	stream.indirect_vreg.scatter [tilespmem:s21], [sflag:$0x1], $0x80, v4, vm0, $0xb8;
	[tilespmem:$0x10100] =	vst v63  }
0xe6: {  	s22 =	simm.s32 $0xD900  }
0xe7: {  	[hbm4b:s6+s2] =	stream.indirect_vreg.scatter [tilespmem:s22], [sflag:$0x1], $0x80, v4, vm0, $0xb8;
	[tilespmem:$0x10100] =	vst v63  }
0xe8: {  	s31 =	simm.s32 $0xE100  }
0xe9: {  	[hbm4b:s3+s2] =	stream.indirect_vreg.scatter [tilespmem:s31], [sflag:$0x1], $0x80, v3, vm0, $0xb8;
	[tilespmem:$0x10100] =	vst v63  }
0xea: {  	s20 =	simm.s32 $0xE900  }
0xeb: {  	[hbm4b:s4+s2] =	stream.indirect_vreg.scatter [tilespmem:s20], [sflag:$0x1], $0x80, v3, vm0, $0xb8;
	[tilespmem:$0x10100] =	vst v63  }
0xec: {  	s21 =	simm.s32 $0xF100  }
0xed: {  	[hbm4b:s5+s2] =	stream.indirect_vreg.scatter [tilespmem:s21], [sflag:$0x1], $0x80, v3, vm0, $0xb8;
	[tilespmem:$0x10100] =	vst v63  }
0xee: {  	s23 =	simm.s32 $0xF900  }
0xef: {  	[hbm4b:s6+s2] =	stream.indirect_vreg.scatter [tilespmem:s23], [sflag:$0x1], $0x80, v3, vm0, $0xb8;
	[tilespmem:$0x10100] =	vst v63  }
0xf0: {  	_ =	swait.ge [sflag:s19], $0x8000  }
0xf1: {  	[sflag:s19] =	ssyncset.done $0x0  }
0xf2: {  	s23 =	rddreg [dreg:$0xb];
	[sflag:s19] =	ssyncadd.s32 $0xFFFF8000  }
0xf3: {  	[tilespmem:s2], [sflag:$0x2] =	stream.linear.gather [hbm4b:s23+s2], $0x20, $0x38;
	[tilespmem:$0x10100] =	vst v63  }
0xf4: {  	_ =	swait.ge [sflag:s8], $0x20  }
0xf5: {  	[sflag:s8] =	ssyncset.done $0x0  }
0xf6: {  	s23 =	rddreg [dreg:$0xc];
	[sflag:s8] =	ssyncadd.s32 $0xFFFFFFE0  }
0xf7: {  	[tilespmem:s28], [sflag:$0x2] =	stream.linear.gather [hbm4b:s23+s2], $0x8000, $0x38;
	[tilespmem:$0x10100] =	vst v63  }
0xf8: {  	_ =	swait.ge [sflag:s8], $0x8000  }
0xf9: {  	[sflag:s8] =	ssyncset.done $0x0  }
0xfa: {  	[sflag:s8] =	ssyncadd.s32 $0xFFFF8000  }
0xfb: {  	v3 =	vld [tilespmem:$0x0];
	_ =	sdelay $0x4  }
0xfc: {  	v56 =	vshll.u32 v3, $0x3  }
0xfd: {  	v3 =	vand.u32 $0x7, v3;
	v4 =	vand.u32 $0xFFFFFFC0, v56  }
0xfe: {  	v3 =	vor.u32 v3, v4  }
0xff: {  	v4 =	vperm.xlane v3, v0;
	_ =	sdelay $0x1  }
0x100: {  	v4 =	vadd.s32 v1, v4;
	_ =	sdelay $0x4  }
0x101: {  	[hbm4b:s3+s2] =	stream.indirect_vreg.scatter [tilespmem:s28], [sflag:$0x1], $0x80, v4, vm0, $0xb8;
	[tilespmem:$0x10100] =	vst v63  }
0x102: {  	s23 =	simm.s32 $0x900;
	v3 =	vperm.xlane v3, v2  }
0x103: {  	[hbm4b:s4+s2] =	stream.indirect_vreg.scatter [tilespmem:s23], [sflag:$0x1], $0x80, v4, vm0, $0xb8;
	[tilespmem:$0x10100] =	vst v63  }
0x104: {  	s24 =	simm.s32 $0x1100;
	v3 =	vadd.s32 v1, v3  }
0x105: {  	[hbm4b:s5+s2] =	stream.indirect_vreg.scatter [tilespmem:s24], [sflag:$0x1], $0x80, v4, vm0, $0xb8;
	[tilespmem:$0x10100] =	vst v63  }
0x106: {  	_ = 	snop  }
0x107: {  	[hbm4b:s6+s2] =	stream.indirect_vreg.scatter [tilespmem:s25], [sflag:$0x1], $0x80, v4, vm0, $0xb8;
	[tilespmem:$0x10100] =	vst v63  }
0x108: {  	_ = 	snop  }
0x109: {  	[hbm4b:s3+s2] =	stream.indirect_vreg.scatter [tilespmem:s10], [sflag:$0x1], $0x80, v3, vm0, $0xb8;
	[tilespmem:$0x10100] =	vst v63  }
0x10a: {  	_ = 	snop  }
0x10b: {  	[hbm4b:s4+s2] =	stream.indirect_vreg.scatter [tilespmem:s11], [sflag:$0x1], $0x80, v3, vm0, $0xb8;
	[tilespmem:$0x10100] =	vst v63  }
0x10c: {  	s23 =	simm.s32 $0x3100  }
0x10d: {  	[hbm4b:s5+s2] =	stream.indirect_vreg.scatter [tilespmem:s23], [sflag:$0x1], $0x80, v3, vm0, $0xb8;
	[tilespmem:$0x10100] =	vst v63  }
0x10e: {  	s25 =	simm.s32 $0x3900  }
0x10f: {  	[hbm4b:s6+s2] =	stream.indirect_vreg.scatter [tilespmem:s25], [sflag:$0x1], $0x80, v3, vm0, $0xb8;
	[tilespmem:$0x10100] =	vst v63  }
0x110: {  	v3 =	vld [tilespmem:$0x10];
	_ =	sdelay $0x4  }
0x111: {  	v57 =	vshll.u32 v3, $0x3  }
0x112: {  	v3 =	vand.u32 $0x7, v3;
	v4 =	vand.u32 $0xFFFFFFC0, v57  }
0x113: {  	v3 =	vor.u32 v3, v4  }
0x114: {  	v4 =	vperm.xlane v3, v0;
	_ =	sdelay $0x1  }
0x115: {  	v4 =	vadd.s32 v1, v4;
	_ =	sdelay $0x3  }
0x116: {  	s23 =	simm.s32 $0x4100  }
0x117: {  	[hbm4b:s3+s2] =	stream.indirect_vreg.scatter [tilespmem:s23], [sflag:$0x1], $0x80, v4, vm0, $0xb8;
	[tilespmem:$0x10100] =	vst v63  }
0x118: {  	s25 =	simm.s32 $0x4900;
	v3 =	vperm.xlane v3, v2  }
0x119: {  	[hbm4b:s4+s2] =	stream.indirect_vreg.scatter [tilespmem:s25], [sflag:$0x1], $0x80, v4, vm0, $0xb8;
	[tilespmem:$0x10100] =	vst v63  }
0x11a: {  	v3 =	vadd.s32 v1, v3  }
0x11b: {  	[hbm4b:s5+s2] =	stream.indirect_vreg.scatter [tilespmem:s12], [sflag:$0x1], $0x80, v4, vm0, $0xb8;
	[tilespmem:$0x10100] =	vst v63  }
0x11c: {  	_ = 	snop  }
0x11d: {  	[hbm4b:s6+s2] =	stream.indirect_vreg.scatter [tilespmem:s13], [sflag:$0x1], $0x80, v4, vm0, $0xb8;
	[tilespmem:$0x10100] =	vst v63  }
0x11e: {  	_ = 	snop  }
0x11f: {  	[hbm4b:s3+s2] =	stream.indirect_vreg.scatter [tilespmem:s14], [sflag:$0x1], $0x80, v3, vm0, $0xb8;
	[tilespmem:$0x10100] =	vst v63  }
0x120: {  	_ = 	snop  }
0x121: {  	[hbm4b:s4+s2] =	stream.indirect_vreg.scatter [tilespmem:s15], [sflag:$0x1], $0x80, v3, vm0, $0xb8;
	[tilespmem:$0x10100] =	vst v63  }
0x122: {  	_ = 	snop  }
0x123: {  	[hbm4b:s5+s2] =	stream.indirect_vreg.scatter [tilespmem:s16], [sflag:$0x1], $0x80, v3, vm0, $0xb8;
	[tilespmem:$0x10100] =	vst v63  }
0x124: {  	_ = 	snop  }
0x125: {  	[hbm4b:s6+s2] =	stream.indirect_vreg.scatter [tilespmem:s17], [sflag:$0x1], $0x80, v3, vm0, $0xb8;
	[tilespmem:$0x10100] =	vst v63  }
0x126: {  	_ =	swait.ge [sflag:s19], $0x8000  }
0x127: {  	[sflag:s19] =	ssyncset.done $0x0  }
0x128: {  	s25 =	simm.s32 $0x80;
	s23 =	rddreg [dreg:$0xd];
	[sflag:s19] =	ssyncadd.s32 $0xFFFF8000  }
0x129: {  	[tilespmem:s25], [sflag:$0x2] =	stream.linear.gather [hbm4b:s23+s2], $0x20, $0x38;
	[tilespmem:$0x10100] =	vst v63  }
0x12a: {  	_ =	swait.ge [sflag:s8], $0x20  }
0x12b: {  	[sflag:s8] =	ssyncset.done $0x0  }
0x12c: {  	s23 =	rddreg [dreg:$0xe];
	[sflag:s8] =	ssyncadd.s32 $0xFFFFFFE0  }
0x12d: {  	[tilespmem:s26], [sflag:$0x2] =	stream.linear.gather [hbm4b:s23+s2], $0x8000, $0x38;
	[tilespmem:$0x10100] =	vst v63  }
0x12e: {  	_ =	swait.ge [sflag:s8], $0x8000  }
0x12f: {  	[sflag:s8] =	ssyncset.done $0x0  }
0x130: {  	[sflag:s8] =	ssyncadd.s32 $0xFFFF8000  }
0x131: {  	v3 =	vld [tilespmem:$0x80];
	_ =	sdelay $0x4  }
0x132: {  	v58 =	vshll.u32 v3, $0x3  }
0x133: {  	v3 =	vand.u32 $0x7, v3;
	v4 =	vand.u32 $0xFFFFFFC0, v58  }
0x134: {  	v3 =	vor.u32 v3, v4  }
0x135: {  	v4 =	vperm.xlane v3, v0;
	_ =	sdelay $0x1  }
0x136: {  	v4 =	vadd.s32 v1, v4;
	_ =	sdelay $0x4  }
0x137: {  	[hbm4b:s3+s2] =	stream.indirect_vreg.scatter [tilespmem:s26], [sflag:$0x1], $0x80, v4, vm0, $0xb8;
	[tilespmem:$0x10100] =	vst v63  }
0x138: {  	v3 =	vperm.xlane v3, v2  }
0x139: {  	[hbm4b:s4+s2] =	stream.indirect_vreg.scatter [tilespmem:s9], [sflag:$0x1], $0x80, v4, vm0, $0xb8;
	[tilespmem:$0x10100] =	vst v63  }
0x13a: {  	v3 =	vadd.s32 v1, v3  }
0x13b: {  	[hbm4b:s5+s2] =	stream.indirect_vreg.scatter [tilespmem:s0], [sflag:$0x1], $0x80, v4, vm0, $0xb8;
	[tilespmem:$0x10100] =	vst v63  }
0x13c: {  	_ = 	snop  }
0x13d: {  	[hbm4b:s6+s2] =	stream.indirect_vreg.scatter [tilespmem:s1], [sflag:$0x1], $0x80, v4, vm0, $0xb8;
	[tilespmem:$0x10100] =	vst v63  }
0x13e: {  	s25 =	simm.s32 $0xA100  }
0x13f: {  	[hbm4b:s3+s2] =	stream.indirect_vreg.scatter [tilespmem:s25], [sflag:$0x1], $0x80, v3, vm0, $0xb8;
	[tilespmem:$0x10100] =	vst v63  }
0x140: {  	s29 =	simm.s32 $0xA900  }
0x141: {  	[hbm4b:s4+s2] =	stream.indirect_vreg.scatter [tilespmem:s29], [sflag:$0x1], $0x80, v3, vm0, $0xb8;
	[tilespmem:$0x10100] =	vst v63  }
0x142: {  	s30 =	simm.s32 $0xB100  }
0x143: {  	[hbm4b:s5+s2] =	stream.indirect_vreg.scatter [tilespmem:s30], [sflag:$0x1], $0x80, v3, vm0, $0xb8;
	[tilespmem:$0x10100] =	vst v63  }
0x144: {  	s29 =	simm.s32 $0xB900  }
0x145: {  	[hbm4b:s6+s2] =	stream.indirect_vreg.scatter [tilespmem:s29], [sflag:$0x1], $0x80, v3, vm0, $0xb8;
	[tilespmem:$0x10100] =	vst v63  }
0x146: {  	v3 =	vld [tilespmem:$0x90];
	_ =	sdelay $0x4  }
0x147: {  	v59 =	vshll.u32 v3, $0x3  }
0x148: {  	v3 =	vand.u32 $0x7, v3;
	v4 =	vand.u32 $0xFFFFFFC0, v59  }
0x149: {  	v3 =	vor.u32 v3, v4  }
0x14a: {  	v4 =	vperm.xlane v3, v0;
	_ =	sdelay $0x1  }
0x14b: {  	v4 =	vadd.s32 v1, v4;
	_ =	sdelay $0x3  }
0x14c: {  	s30 =	simm.s32 $0xC100  }
0x14d: {  	[hbm4b:s3+s2] =	stream.indirect_vreg.scatter [tilespmem:s30], [sflag:$0x1], $0x80, v4, vm0, $0xb8;
	[tilespmem:$0x10100] =	vst v63  }
0x14e: {  	s29 =	simm.s32 $0xC900;
	v3 =	vperm.xlane v3, v2  }
0x14f: {  	[hbm4b:s4+s2] =	stream.indirect_vreg.scatter [tilespmem:s29], [sflag:$0x1], $0x80, v4, vm0, $0xb8;
	[tilespmem:$0x10100] =	vst v63  }
0x150: {  	v3 =	vadd.s32 v1, v3;
	s30 =	simm.s32 $0xD100  }
0x151: {  	[hbm4b:s5+s2] =	stream.indirect_vreg.scatter [tilespmem:s30], [sflag:$0x1], $0x80, v4, vm0, $0xb8;
	[tilespmem:$0x10100] =	vst v63  }
0x152: {  	s22 =	simm.s32 $0xD900  }
0x153: {  	[hbm4b:s6+s2] =	stream.indirect_vreg.scatter [tilespmem:s22], [sflag:$0x1], $0x80, v4, vm0, $0xb8;
	[tilespmem:$0x10100] =	vst v63  }
0x154: {  	s31 =	simm.s32 $0xE100  }
0x155: {  	[hbm4b:s3+s2] =	stream.indirect_vreg.scatter [tilespmem:s31], [sflag:$0x1], $0x80, v3, vm0, $0xb8;
	[tilespmem:$0x10100] =	vst v63  }
0x156: {  	s18 =	simm.s32 $0xE900  }
0x157: {  	[hbm4b:s4+s2] =	stream.indirect_vreg.scatter [tilespmem:s18], [sflag:$0x1], $0x80, v3, vm0, $0xb8;
	[tilespmem:$0x10100] =	vst v63  }
0x158: {  	s21 =	simm.s32 $0xF100  }
0x159: {  	[hbm4b:s5+s2] =	stream.indirect_vreg.scatter [tilespmem:s21], [sflag:$0x1], $0x80, v3, vm0, $0xb8;
	[tilespmem:$0x10100] =	vst v63  }
0x15a: {  	s21 =	simm.s32 $0xF900  }
0x15b: {  	[hbm4b:s6+s2] =	stream.indirect_vreg.scatter [tilespmem:s21], [sflag:$0x1], $0x80, v3, vm0, $0xb8;
	[tilespmem:$0x10100] =	vst v63  }
0x15c: {  	_ =	swait.ge [sflag:s19], $0x8000  }
0x15d: {  	[sflag:s19] =	ssyncset.done $0x0  }
0x15e: {  	s31 =	rddreg [dreg:$0xf];
	[sflag:s19] =	ssyncadd.s32 $0xFFFF8000  }
0x15f: {  	[tilespmem:s2], [sflag:$0x2] =	stream.linear.gather [hbm4b:s31+s2], $0x20, $0x38;
	[tilespmem:$0x10100] =	vst v63  }
0x160: {  	_ =	swait.ge [sflag:s8], $0x20  }
0x161: {  	[sflag:s8] =	ssyncset.done $0x0  }
0x162: {  	s31 =	rddreg [dreg:$0x10];
	[sflag:s8] =	ssyncadd.s32 $0xFFFFFFE0  }
0x163: {  	[tilespmem:s28], [sflag:$0x2] =	stream.linear.gather [hbm4b:s31+s2], $0x8000, $0x38;
	[tilespmem:$0x10100] =	vst v63  }
0x164: {  	_ =	swait.ge [sflag:s8], $0x8000  }
0x165: {  	[sflag:s8] =	ssyncset.done $0x0  }
0x166: {  	[sflag:s8] =	ssyncadd.s32 $0xFFFF8000  }
0x167: {  	v3 =	vld [tilespmem:$0x0];
	_ =	sdelay $0x4  }
0x168: {  	v60 =	vshll.u32 v3, $0x3  }
0x169: {  	v3 =	vand.u32 $0x7, v3;
	v4 =	vand.u32 $0xFFFFFFC0, v60  }
0x16a: {  	v3 =	vor.u32 v3, v4  }
0x16b: {  	v4 =	vperm.xlane v3, v0;
	_ =	sdelay $0x1  }
0x16c: {  	v4 =	vadd.s32 v1, v4;
	_ =	sdelay $0x4  }
0x16d: {  	[hbm4b:s3+s2] =	stream.indirect_vreg.scatter [tilespmem:s28], [sflag:$0x1], $0x80, v4, vm0, $0xb8;
	[tilespmem:$0x10100] =	vst v63  }
0x16e: {  	s31 =	simm.s32 $0x900;
	v3 =	vperm.xlane v3, v2  }
0x16f: {  	[hbm4b:s4+s2] =	stream.indirect_vreg.scatter [tilespmem:s31], [sflag:$0x1], $0x80, v4, vm0, $0xb8;
	[tilespmem:$0x10100] =	vst v63  }
0x170: {  	v3 =	vadd.s32 v1, v3;
	s31 =	simm.s32 $0x1100  }
0x171: {  	[hbm4b:s5+s2] =	stream.indirect_vreg.scatter [tilespmem:s31], [sflag:$0x1], $0x80, v4, vm0, $0xb8;
	[tilespmem:$0x10100] =	vst v63  }
0x172: {  	s24 =	simm.s32 $0x1900  }
0x173: {  	[hbm4b:s6+s2] =	stream.indirect_vreg.scatter [tilespmem:s24], [sflag:$0x1], $0x80, v4, vm0, $0xb8;
	[tilespmem:$0x10100] =	vst v63  }
0x174: {  	s10 =	simm.s32 $0x2100  }
0x175: {  	[hbm4b:s3+s2] =	stream.indirect_vreg.scatter [tilespmem:s10], [sflag:$0x1], $0x80, v3, vm0, $0xb8;
	[tilespmem:$0x10100] =	vst v63  }
0x176: {  	s11 =	simm.s32 $0x2900  }
0x177: {  	[hbm4b:s4+s2] =	stream.indirect_vreg.scatter [tilespmem:s11], [sflag:$0x1], $0x80, v3, vm0, $0xb8;
	[tilespmem:$0x10100] =	vst v63  }
0x178: {  	s20 =	simm.s32 $0x3100  }
0x179: {  	[hbm4b:s5+s2] =	stream.indirect_vreg.scatter [tilespmem:s20], [sflag:$0x1], $0x80, v3, vm0, $0xb8;
	[tilespmem:$0x10100] =	vst v63  }
0x17a: {  	s24 =	simm.s32 $0x3900  }
0x17b: {  	[hbm4b:s6+s2] =	stream.indirect_vreg.scatter [tilespmem:s24], [sflag:$0x1], $0x80, v3, vm0, $0xb8;
	[tilespmem:$0x10100] =	vst v63  }
0x17c: {  	v3 =	vld [tilespmem:$0x10];
	_ =	sdelay $0x4  }
0x17d: {  	v61 =	vshll.u32 v3, $0x3  }
0x17e: {  	v3 =	vand.u32 $0x7, v3;
	v4 =	vand.u32 $0xFFFFFFC0, v61  }
0x17f: {  	v3 =	vor.u32 v3, v4  }
0x180: {  	v4 =	vperm.xlane v3, v0;
	_ =	sdelay $0x1  }
0x181: {  	v4 =	vadd.s32 v1, v4;
	_ =	sdelay $0x3  }
0x182: {  	s31 =	simm.s32 $0x4100  }
0x183: {  	[hbm4b:s3+s2] =	stream.indirect_vreg.scatter [tilespmem:s31], [sflag:$0x1], $0x80, v4, vm0, $0xb8;
	[tilespmem:$0x10100] =	vst v63  }
0x184: {  	s11 =	simm.s32 $0x4900;
	v3 =	vperm.xlane v3, v2  }
0x185: {  	[hbm4b:s4+s2] =	stream.indirect_vreg.scatter [tilespmem:s11], [sflag:$0x1], $0x80, v4, vm0, $0xb8;
	[tilespmem:$0x10100] =	vst v63  }
0x186: {  	s12 =	simm.s32 $0x5100;
	v3 =	vadd.s32 v1, v3  }
0x187: {  	[hbm4b:s5+s2] =	stream.indirect_vreg.scatter [tilespmem:s12], [sflag:$0x1], $0x80, v4, vm0, $0xb8;
	[tilespmem:$0x10100] =	vst v63  }
0x188: {  	s13 =	simm.s32 $0x5900  }
0x189: {  	[hbm4b:s6+s2] =	stream.indirect_vreg.scatter [tilespmem:s13], [sflag:$0x1], $0x80, v4, vm0, $0xb8;
	[tilespmem:$0x10100] =	vst v63  }
0x18a: {  	s14 =	simm.s32 $0x6100  }
0x18b: {  	[hbm4b:s3+s2] =	stream.indirect_vreg.scatter [tilespmem:s14], [sflag:$0x1], $0x80, v3, vm0, $0xb8;
	[tilespmem:$0x10100] =	vst v63  }
0x18c: {  	s15 =	simm.s32 $0x6900  }
0x18d: {  	[hbm4b:s4+s2] =	stream.indirect_vreg.scatter [tilespmem:s15], [sflag:$0x1], $0x80, v3, vm0, $0xb8;
	[tilespmem:$0x10100] =	vst v63  }
0x18e: {  	s16 =	simm.s32 $0x7100  }
0x18f: {  	[hbm4b:s5+s2] =	stream.indirect_vreg.scatter [tilespmem:s16], [sflag:$0x1], $0x80, v3, vm0, $0xb8;
	[tilespmem:$0x10100] =	vst v63  }
0x190: {  	s17 =	simm.s32 $0x7900  }
0x191: {  	[hbm4b:s6+s2] =	stream.indirect_vreg.scatter [tilespmem:s17], [sflag:$0x1], $0x80, v3, vm0, $0xb8;
	[tilespmem:$0x10100] =	vst v63  }
0x192: {  	_ =	swait.ge [sflag:s19], $0x8000  }
0x193: {  	[sflag:s19] =	ssyncset.done $0x0  }
0x194: {  	s16 =	simm.s32 $0x80;
	s15 =	rddreg [dreg:$0x11];
	[sflag:s19] =	ssyncadd.s32 $0xFFFF8000  }
0x195: {  	[tilespmem:s16], [sflag:$0x2] =	stream.linear.gather [hbm4b:s15+s2], $0x20, $0x38;
	[tilespmem:$0x10100] =	vst v63  }
0x196: {  	_ =	swait.ge [sflag:s8], $0x20  }
0x197: {  	[sflag:s8] =	ssyncset.done $0x0  }
0x198: {  	s17 =	rddreg [dreg:$0x12];
	[sflag:s8] =	ssyncadd.s32 $0xFFFFFFE0  }
0x199: {  	[tilespmem:s26], [sflag:$0x2] =	stream.linear.gather [hbm4b:s17+s2], $0x8000, $0x38;
	[tilespmem:$0x10100] =	vst v63  }
0x19a: {  	_ =	swait.ge [sflag:s8], $0x8000  }
0x19b: {  	[sflag:s8] =	ssyncset.done $0x0  }
0x19c: {  	[sflag:s8] =	ssyncadd.s32 $0xFFFF8000  }
0x19d: {  	v3 =	vld [tilespmem:$0x80];
	_ =	sdelay $0x4  }
0x19e: {  	v62 =	vshll.u32 v3, $0x3  }
0x19f: {  	v3 =	vand.u32 $0x7, v3;
	v4 =	vand.u32 $0xFFFFFFC0, v62  }
0x1a0: {  	v3 =	vor.u32 v3, v4  }
0x1a1: {  	v4 =	vperm.xlane v3, v0;
	_ =	sdelay $0x1  }
0x1a2: {  	v4 =	vadd.s32 v1, v4;
	_ =	sdelay $0x4  }
0x1a3: {  	[hbm4b:s3+s2] =	stream.indirect_vreg.scatter [tilespmem:s26], [sflag:$0x1], $0x80, v4, vm0, $0xb8;
	[tilespmem:$0x10100] =	vst v63  }
0x1a4: {  	s9 =	simm.s32 $0x8900;
	v3 =	vperm.xlane v3, v2  }
0x1a5: {  	[hbm4b:s4+s2] =	stream.indirect_vreg.scatter [tilespmem:s9], [sflag:$0x1], $0x80, v4, vm0, $0xb8;
	[tilespmem:$0x10100] =	vst v63  }
0x1a6: {  	s0 =	simm.s32 $0x9100;
	v3 =	vadd.s32 v1, v3  }
0x1a7: {  	[hbm4b:s5+s2] =	stream.indirect_vreg.scatter [tilespmem:s0], [sflag:$0x1], $0x80, v4, vm0, $0xb8;
	[tilespmem:$0x10100] =	vst v63  }
0x1a8: {  	s1 =	simm.s32 $0x9900  }
0x1a9: {  	[hbm4b:s6+s2] =	stream.indirect_vreg.scatter [tilespmem:s1], [sflag:$0x1], $0x80, v4, vm0, $0xb8;
	[tilespmem:$0x10100] =	vst v63  }
0x1aa: {  	s20 =	simm.s32 $0xA100  }
0x1ab: {  	[hbm4b:s3+s2] =	stream.indirect_vreg.scatter [tilespmem:s20], [sflag:$0x1], $0x80, v3, vm0, $0xb8;
	[tilespmem:$0x10100] =	vst v63  }
0x1ac: {  	s23 =	simm.s32 $0xA900  }
0x1ad: {  	[hbm4b:s4+s2] =	stream.indirect_vreg.scatter [tilespmem:s23], [sflag:$0x1], $0x80, v3, vm0, $0xb8;
	[tilespmem:$0x10100] =	vst v63  }
0x1ae: {  	s25 =	simm.s32 $0xB100  }
0x1af: {  	[hbm4b:s5+s2] =	stream.indirect_vreg.scatter [tilespmem:s25], [sflag:$0x1], $0x80, v3, vm0, $0xb8;
	[tilespmem:$0x10100] =	vst v63  }
0x1b0: {  	s23 =	simm.s32 $0xB900  }
0x1b1: {  	[hbm4b:s6+s2] =	stream.indirect_vreg.scatter [tilespmem:s23], [sflag:$0x1], $0x80, v3, vm0, $0xb8;
	[tilespmem:$0x10100] =	vst v63  }
0x1b2: {  	v3 =	vld [tilespmem:$0x90];
	_ =	sdelay $0x4  }
0x1b3: {  	v63 =	vshll.u32 v3, $0x3  }
0x1b4: {  	v3 =	vand.u32 $0x7, v3;
	v4 =	vand.u32 $0xFFFFFFC0, v63  }
0x1b5: {  	v3 =	vor.u32 v3, v4  }
0x1b6: {  	v4 =	vperm.xlane v3, v0;
	_ =	sdelay $0x1  }
0x1b7: {  	v4 =	vadd.s32 v1, v4;
	_ =	sdelay $0x3  }
0x1b8: {  	s24 =	simm.s32 $0xC100  }
0x1b9: {  	[hbm4b:s3+s2] =	stream.indirect_vreg.scatter [tilespmem:s24], [sflag:$0x1], $0x80, v4, vm0, $0xb8;
	[tilespmem:$0x10100] =	vst v63  }
0x1ba: {  	s25 =	simm.s32 $0xC900;
	v3 =	vperm.xlane v3, v2  }
0x1bb: {  	[hbm4b:s4+s2] =	stream.indirect_vreg.scatter [tilespmem:s25], [sflag:$0x1], $0x80, v4, vm0, $0xb8;
	[tilespmem:$0x10100] =	vst v63  }
0x1bc: {  	s31 =	simm.s32 $0xD100;
	v3 =	vadd.s32 v1, v3  }
0x1bd: {  	[hbm4b:s5+s2] =	stream.indirect_vreg.scatter [tilespmem:s31], [sflag:$0x1], $0x80, v4, vm0, $0xb8;
	[tilespmem:$0x10100] =	vst v63  }
0x1be: {  	s30 =	simm.s32 $0xD900  }
0x1bf: {  	[hbm4b:s6+s2] =	stream.indirect_vreg.scatter [tilespmem:s30], [sflag:$0x1], $0x80, v4, vm0, $0xb8;
	[tilespmem:$0x10100] =	vst v63  }
0x1c0: {  	s22 =	simm.s32 $0xE100  }
0x1c1: {  	[hbm4b:s3+s2] =	stream.indirect_vreg.scatter [tilespmem:s22], [sflag:$0x1], $0x80, v3, vm0, $0xb8;
	[tilespmem:$0x10100] =	vst v63  }
0x1c2: {  	s29 =	simm.s32 $0xE900  }
0x1c3: {  	[hbm4b:s4+s2] =	stream.indirect_vreg.scatter [tilespmem:s29], [sflag:$0x1], $0x80, v3, vm0, $0xb8;
	[tilespmem:$0x10100] =	vst v63  }
0x1c4: {  	s18 =	simm.s32 $0xF100  }
0x1c5: {  	[hbm4b:s5+s2] =	stream.indirect_vreg.scatter [tilespmem:s18], [sflag:$0x1], $0x80, v3, vm0, $0xb8;
	[tilespmem:$0x10100] =	vst v63  }
0x1c6: {  	s21 =	simm.s32 $0xF900  }
0x1c7: {  	[hbm4b:s6+s2] =	stream.indirect_vreg.scatter [tilespmem:s21], [sflag:$0x1], $0x80, v3, vm0, $0xb8;
	[tilespmem:$0x10100] =	vst v63  }
0x1c8: {  	p0 =	sne.s32 s7, $0x1;
	_ =	swait.ge [sflag:s19], $0x8000  }
.Ltmp0:
0x1c9: {  	[sflag:s19] =	ssyncset.done $0x0;
	(pc) =	sbr.rel @p0 .LBB2_1-.Ltmp0, $4  }
0x1ca: {  	[sflag:s19] =	ssyncadd.s32 $0xFFFF8000  }
0x1cb: {  	_ =	swait.ge [sflag:s19], $0x8000  }
0x1cc: {  	[sflag:s19] =	ssyncset.done $0x0  }
0x1cd: {  	s7 =	sadd.s32 $0xFFFFFFFF, s7;
	[sflag:s19] =	ssyncadd.s32 $0xFFFF8000  }
0x1ce: {  	_ =	sfence.sel $0x180000  }
0x1cf: {  	[bflag:$0x0] =	sbarrier.arrive $0xFFFF  }
0x1d0: {  	_ =	strace $0x90000047  }
0x1d1: {  	s0 =	stileid.u32;
	[bflag:$0x2] =	sbarrier.arrive $0xFFFF  }
0x1d2: {  	p0 =	sne.s32 s0, $0x0;
	s0 =	rddreg [dreg:$0x2]  }
0x1d3: {  	s0 =	sadd.s32 @!p0 $0x100000, s0  }
0x1d4: {  	[sflag:s0] =	ssyncadd.tile.s32 @!p0 $0x1;
	_ =	shalt  }
.Lfunc_end2:
_tile_overlayer_lowered:
.L_overlay_start_2:
0x1d5: {  	(tag) =	ssettag $0x2  }
0x1d6: {  	s0 =	rddreg [dreg:$0x0];
	s2 =	stileid.u32  }
0x1d7: {  	s1 =	rddreg [dreg:$0x1];
	p0 =	sne.s32 s2, $0x0  }
0x1d8: {  	s3 =	rddreg [dreg:$0x2];
	[bflag:$0x3] =	sbarrier.arrive $0xFFFF;
	s2 =	simm.s32 @!p0 $0x1C02  }
0x1d9: {  	[timem:s3], [sflag:s2] =	dma.local @!p0 [hbm:s0], s1  }
0x1da: {  	s0 =	simm.s32 @!p0 $0x2  }
0x1db: {  	_ =	swait.ge @!p0 [sflag:s0], s1  }
0x1dc: {  	s1 =	ssub.s32 @!p0 $0x0, s1;
	[sflag:s0] =	ssyncset.done @!p0 $0x0  }
0x1dd: {  	[sflag:s0] =	ssyncadd.s32 @!p0 s1  }
0x1de: {  	[bflag:$0x3] =	sbarrier.arrive $0xFFFF  }
0x1df: {  	_ =	shalt  }

// kernel: kernel.9.cloned.1.call-start
scs
__scs_entry_jumppad:
0x0: {  	(pc) =	sbr.rel $0x88, $3  }
0x1: {  	(tag) =	ssettag $0x0;
	lr =	simm.s32 $0x1  }
0x2: {  	[smem:$0x3F9E] =	sst lr;
	_ =	strace $0xD0000000  }
0x3: {  	_ = 	snop  }
0x4: {  	_ = 	snop  }
0x5: {  	_ = 	snop  }
0x6: {  	_ = 	snop  }
0x7: {  	_ = 	snop  }
__scs_overlays_trampoline_lowered:
0x8: {  	[smem:$0x3FAD] =	sst s0  }
0x9: {  	[smem:$0x3FAE] =	sst s1  }
0xa: {  	[smem:$0x3FAF] =	sst s2  }
0xb: {  	[smem:$0x3FB0] =	sst s3  }
0xc: {  	[smem:$0x3FB1] =	sst s4  }
0xd: {  	[smem:$0x3FB2] =	sst s5  }
0xe: {  	[smem:$0x3FB3] =	sst s6  }
0xf: {  	[smem:$0x3FB4] =	sst s7  }
0x10: {  	[smem:$0x3FB5] =	sst s8  }
0x11: {  	[smem:$0x3FB6] =	sst s9;
	s0 =	simm.s32 @!p0 $0x0  }
0x12: {  	s1 =	sld [smem:$0x3F9C];
	s0 =	simm.s32 @p0 $0x1  }
0x13: {  	[smem:$0x3FB7] =	sst s0;
	s0 =	simm.s32 @!p1 $0x0  }
0x14: {  	s2 =	sld [smem:$0x3F9B];
	s0 =	simm.s32 @p1 $0x1  }
0x15: {  	[smem:$0x3FB8] =	sst s0;
	s0 =	simm.s32 @!p2 $0x0  }
0x16: {  	s3 =	sld [smem:$0x3FDB];
	s0 =	simm.s32 @p2 $0x1  }
0x17: {  	s4 =	simm.s32 $0x1BF5;
	[smem:$0x3FBA] =	sst s0  }
0x18: {  	s0 =	sld [smem:$0x3F9D];
	_ =	swait.ge [sflag:s4], $0x0  }
0x19: {  	s7 =	sld [smem:$0x3F9E]  }
0x1a: {  	s8 =	sadd.s32 $0xFFFFE003, lr  }
0x1b: {  	s9 =	sadd.s32 $0xFFFFFEF7, lr;
	s5 =	simm.s32 $0xFFFFFFFF;
	p2 =	slt.u32 s8, $0xFFFFF086  }
0x1c: {  	p1 =	slt.u32 s9, $0xF7A;
	s5 =	simm.s32 @!p2 $0x0  }
0x1d: {  	s5 =	simm.s32 @p1 $0x1;
	p0 =	seq.s32 s7, s2  }
0x1e: {  	s7 =	smul.u32 @!p0 $0xF7A, s2;
	p2 =	seq.s32 @!p0 s5, $0x0  }
0x1f: {  	s9 =	smul.u32 $0xF7A, s1;
	s8 =	simm.s32 @!p0 $0x1BF5;
	p2 =	por !p2, p0  }
0x20: {  	[sflag:s8] =	ssyncset.s32 @!p0 $0xFFFFF086;
	s6 =	sadd.s32 @!p0 s3, s7;
	s7 =	simm.s32 @!p0 $0x108  }
0x21: {  	s3 =	sadd.s32 s3, s9;
	s6 =	sadd.s32 @!p0 $0x88, s6;
	s7 =	simm.s32 @p2 $0x1082  }
0x22: {  	[simem:s7], [sflag:s8] =	dma.local @!p0 [hbm:s6], $0xF7A  }
0x23: {  	s9 =	sor.u32 $0xD0000000, s2;
	s6 =	simm.s32 $0x108;
	_ =	swait.ge @!p0 [sflag:s8], $0x0  }
0x24: {  	s3 =	sadd.s32 $0x88, s3;
	s6 =	simm.s32 @!p1 $0x1082;
	[sflag:s4] =	ssyncset.s32 $0xFFFFF086  }
0x25: {  	[simem:s6], [sflag:s4] =	dma.local [hbm:s3], $0xF7A  }
0x26: {  	[smem:$0x3F9E] =	sst s1;
	(tag) =	ssettag s2;
	_ =	strace s9  }
0x27: {  	s1 =	sld [smem:$0x3FAE]  }
0x28: {  	s2 =	sld [smem:$0x3FAF]  }
0x29: {  	s4 =	sld [smem:$0x3FB1]  }
0x2a: {  	p0 =	seq.s32 s5, $0x0;
	s5 =	sld [smem:$0x3FB2]  }
0x2b: {  	s6 =	sld [smem:$0x3FB3]  }
0x2c: {  	s7 =	sld [smem:$0x3FB4]  }
0x2d: {  	s3 =	simm.s32 $0x108;
	s8 =	sld [smem:$0x3FB5]  }
0x2e: {  	s3 =	simm.s32 @!p0 $0x1082;
	s9 =	sld [smem:$0x3FB6]  }
0x2f: {  	lr =	sadd.s32 s0, s3;
	s0 =	sld [smem:$0x3FAD]  }
0x30: {  	s3 =	sld [smem:$0x3FB0]  }
0x31: {  	[smem:$0x3FB9] =	sst s10  }
0x32: {  	s10 =	sld [smem:$0x3FB7];
	_ =	sdelay $0x3  }
0x33: {  	p0 =	seq.s32 s10, $0x1;
	s10 =	sld [smem:$0x3FB9];
	_ =	sdelay $0x3  }
0x34: {  	[smem:$0x3FB9] =	sst s10  }
0x35: {  	s10 =	sld [smem:$0x3FB8];
	_ =	sdelay $0x3  }
0x36: {  	p1 =	seq.s32 s10, $0x1;
	s10 =	sld [smem:$0x3FB9];
	_ =	sdelay $0x3  }
0x37: {  	[smem:$0x3FB9] =	sst s10  }
0x38: {  	s10 =	sld [smem:$0x3FBA]  }
0x39: {  	_ = 	snop;
	(pc) =	sbr.ind lr, $3  }
0x3a: {  	_ = 	snop  }
0x3b: {  	_ = 	snop  }
0x3c: {  	p2 =	seq.s32 s10, $0x1;
	s10 =	sld [smem:$0x3FB9]  }
0x3d: {  	_ =	shalt  }
0x3e: {  	_ =	shalt  }
0x3f: {  	_ =	shalt  }
0x40: {  	_ =	shalt  }
0x41: {  	_ =	shalt  }
0x42: {  	_ =	shalt  }
0x43: {  	_ =	shalt  }
0x44: {  	_ =	shalt  }
0x45: {  	_ =	shalt  }
0x46: {  	_ =	shalt  }
0x47: {  	_ =	shalt  }
0x48: {  	_ =	shalt  }
0x49: {  	_ =	shalt  }
0x4a: {  	_ =	shalt  }
0x4b: {  	_ =	shalt  }
0x4c: {  	_ =	shalt  }
0x4d: {  	_ =	shalt  }
0x4e: {  	_ =	shalt  }
0x4f: {  	_ =	shalt  }
0x50: {  	_ =	shalt  }
0x51: {  	_ =	shalt  }
0x52: {  	_ =	shalt  }
0x53: {  	_ =	shalt  }
0x54: {  	_ =	shalt  }
0x55: {  	_ =	shalt  }
0x56: {  	_ =	shalt  }
0x57: {  	_ =	shalt  }
0x58: {  	_ =	shalt  }
0x59: {  	_ =	shalt  }
0x5a: {  	_ =	shalt  }
0x5b: {  	_ =	shalt  }
0x5c: {  	_ =	shalt  }
0x5d: {  	_ =	shalt  }
0x5e: {  	_ =	shalt  }
0x5f: {  	_ =	shalt  }
0x60: {  	_ =	shalt  }
0x61: {  	_ =	shalt  }
0x62: {  	_ =	shalt  }
0x63: {  	_ =	shalt  }
0x64: {  	_ =	shalt  }
0x65: {  	_ =	shalt  }
0x66: {  	_ =	shalt  }
0x67: {  	_ =	shalt  }
0x68: {  	_ =	shalt  }
0x69: {  	_ =	shalt  }
0x6a: {  	_ =	shalt  }
0x6b: {  	_ =	shalt  }
0x6c: {  	_ =	shalt  }
0x6d: {  	_ =	shalt  }
0x6e: {  	_ =	shalt  }
0x6f: {  	_ =	shalt  }
0x70: {  	_ =	shalt  }
0x71: {  	_ =	shalt  }
0x72: {  	_ =	shalt  }
0x73: {  	_ =	shalt  }
0x74: {  	_ =	shalt  }
0x75: {  	_ =	shalt  }
0x76: {  	_ =	shalt  }
0x77: {  	_ =	shalt  }
0x78: {  	_ =	shalt  }
0x79: {  	_ =	shalt  }
0x7a: {  	_ =	shalt  }
0x7b: {  	_ =	shalt  }
0x7c: {  	_ =	shalt  }
0x7d: {  	_ =	shalt  }
0x7e: {  	_ =	shalt  }
0x7f: {  	_ =	shalt  }
0x80: {  	_ =	shalt  }
0x81: {  	_ =	shalt  }
0x82: {  	_ =	shalt  }
0x83: {  	_ =	shalt  }
0x84: {  	_ =	shalt  }
0x85: {  	_ =	shalt  }
0x86: {  	_ =	shalt  }
0x87: {  	_ =	shalt  }
.Lfunc_end0:
.L_simem_size_0:
called_computation.1_lowered:
.L_overlay_start_0:
0x88: {  	s2 =	sld [smem:$0x3FD9]  }
0x89: {  	s3 =	sld [smem:$0x3FFE];
	_ =	sdelay $0x1  }
0x8a: {  	s1 =	srdreg.scid  }
0x8b: {  	s0 =	sand.u32 $0x1, s1  }
0x8c: {  	s17 =	sshll.u32 s0, $0xA;
	s2 =	sadd.s32 s3, s2  }
0x8d: {  	s2 =	sadd.s32 s2, s17  }
0x8e: {  	[smem:$0x3FC5] =	sst s2  }
0x8f: {  	_ = 	snop  }
0x90: {  	s2 =	sld [smem:$0x3FD0];
	(tm) =	ssettm $0x1  }
0x91: {  	s18 =	sld [smem:$0x3FFB];
	_ =	sdelay $0x3  }
0x92: {  	_ =	strace s18  }
0x93: {  	s3 =	sld [smem:$0x3FFC];
	_ =	sdelay $0x3  }
0x94: {  	_ =	strace s3  }
0x95: {  	s3 =	sld [smem:$0x3FFD];
	_ =	sdelay $0x3  }
0x96: {  	_ =	strace s3  }
0x97: {  	_ =	strace $0x8FFFFFFF  }
0x98: {  	s19 =	sld [smem:$0x3FDB];
	_ =	sdelay $0x1  }
0x99: {  	s4 =	simm.s32 $_scs_section_size  }
0x9a: {  	s5 =	simm.s32 $_size__tile_overlayer_lowered;
	s6 =	simm.s32 $_tile_overlayer_lowered  }
0x9b: {  	s22 =	simm.s32 $0x1BFF;
	s21 =	sshll.u32 s6, $0x1;
	s3 =	sadd.s32 s4, s19  }
0x9c: {  	s7 =	simm.s32 $0x0;
	s20 =	sshll.u32 s5, $0x1;
	s5 =	sadd.s32 s21, s3  }
0x9d: {  	[timem:s7], [sflag:s22] =	dma.local [hbm:s5], s20  }
0x9e: {  	_ =	swait.ge [sflag:s22], s20  }
0x9f: {  	s4 =	ssub.s32 $0x0, s20;
	[sflag:s22] =	ssyncset.done $0x0  }
0xa0: {  	[sflag:s22] =	ssyncadd.s32 s4;
	_ =	sdelay $0x1  }
0xa1: {  	s23 =	simm.s32 $0x1B8B  }
0xa2: {  	_ =	swait.ge [sflag:s23], $0x1  }
0xa3: {  	[sflag:s23] =	ssyncset.done $0x0  }
0xa4: {  	s25 =	simm.s32 $0x1B8E;
	s24 =	sld [smem:$0x3FFE];
	[sflag:s23] =	ssyncadd.s32 $0xFFFFFFFF  }
0xa5: {  	s26 =	simm.s32 $execute0_lowered;
	[smem:$0x3FD2] =	sst s25  }
0xa6: {  	s5 =	sshll.u32 s26, $0x1;
	_ =	strace $0x80000049;
	[dreg:$0x1] =	wrdreg $0xFFFFFFFF  }
0xa7: {  	s28 =	simm.s32 $_size_execute0_lowered;
	s3 =	sadd.s32 s3, s5;
	[dreg:$0x0] =	wrdreg $0x0  }
0xa8: {  	s5 =	sshll.u32 s28, $0x1;
	[dreg:$0x2] =	wrdreg s3  }
0xa9: {  	[dreg:$0x3] =	wrdreg s5  }
0xaa: {  	[dreg:$0x4] =	wrdreg $0xC0  }
0xab: {  	_ =	task [dreg:s7], $0x5FFFF  }
0xac: {  	[dreg:$0x1] =	wrdreg $0xFFFFFFFF  }
0xad: {  	[dreg:$0x0] =	wrdreg $0x60  }
0xae: {  	[dreg:$0x2] =	wrdreg s24  }
0xaf: {  	[dreg:$0x3] =	wrdreg s2  }
0xb0: {  	[dreg:$0x4] =	wrdreg $0x9  }
0xb1: {  	_ =	task.clear_ibuf [dreg:s7], $0x5FFFF;
	_ =	strace $0x90000049  }
0xb2: {  	s29 =	simm.s32 $0x9;
	_ =	strace $0x8000004B  }
0xb3: {  	_ =	swait.ge [sflag:s29], $0x1  }
0xb4: {  	[sflag:s29] =	ssyncadd.s32 $0xFFFFFFFF  }
0xb5: {  	_ =	strace $0x9000004B  }
0xb6: {  	_ =	sfence  }
0xb7: {  	s30 =	sld [smem:$0x0];
	_ =	sdelay $0x2  }
0xb8: {  	s31 =	sshll.u32 s1, $0xD;
	s1 =	sshrl.u32 s1, $0x2  }
0xb9: {  	s3 =	sand.u32 $0x4000, s31;
	s1 =	sadd.s32 s1, s30  }
0xba: {  	s0 =	sor.u32 s3, s0;
	s1 =	sshll.u32 s1, $0x11  }
0xbb: {  	s0 =	sor.u32 s1, s0  }
0xbc: {  	s0 =	sadd.s32 $0x8F2B, s0  }
0xbd: {  	[sflag:s0] =	ssyncadd.remote.s32 $0x1  }
0xbe: {  	_ =	sfence.sel $0xFFFF  }
0xbf: {  	[dreg:$0x0] =	wrdreg $0xFFFFFFFF;
	(pc) =	sbr.abs _section_cstart, $3  }
0xc0: {  	[dreg:$0x1] =	wrdreg $0xFFFFFFFF  }
0xc1: {  	_ =	task.clear_ibuf [dreg:s7], $0x2FFFF;
	_ =	strace $0x9FFFFFFF  }
0xc2: {  	(tm) =	ssettm $0x7FFFFFFF  }
0xc3: {  	_ =	shalt  }
tec
execute0_lowered:
.L_overlay_start_1:
0x0: {  	(tag) =	ssettag $0x1  }
0x1: {  	s0 =	rddreg [dreg:$0x0]  }
0x2: {  	s1 =	rddreg [dreg:$0x1];
	s3 =	srdreg.scid;
	s2 =	simm.s32 $0x0  }
0x3: {  	s5 =	stileid.u32;
	s28 =	simm.s32 $0x100;
	s4 =	sand.u32 $0x1, s3  }
0x4: {  	[smem:$0x7FF] =	sst s2;
	s24 =	sshll.u32 s5, $0x9;
	s6 =	sadd.s32 $0x1000, s0  }
0x5: {  	s3 =	sadd.s32 $0x131400, s0;
	s25 =	sshll.u32 s4, $0x8;
	s4 =	ssub.s32 $0x2, s4  }
0x6: {  	_ =	strace $0x8000004A;
	s5 =	sor.u32 s25, s24;
	s17 =	sshrl.u32 s4, $0x1  }
0x7: {  	s7 =	sshrl.u32 s5, $0x3;
	s8 =	sor.u32 $0x20, s5;
	s29 =	sshll.u32 s5, $0x7  }
0x8: {  	s31 =	sor.u32 $0x40, s5;
	s16 =	sor.u32 $0x80, s5;
	s23 =	sor.u32 $0xC0, s5  }
0x9: {  	s7 =	sadd.s32 s6, s7;
	s9 =	sshrl.u32 s8, $0x3;
	s30 =	sadd.s32 s1, s29  }
0xa: {  	s10 =	sshrl.u32 s31, $0x3;
	s8 =	sshll.u32 s8, $0x7;
	s14 =	sshll.u32 s31, $0x7  }
0xb: {  	s18 =	sshrl.u32 s16, $0x3;
	s24 =	sshrl.u32 s23, $0x3;
	[dreg:$0x3] =	wrdreg s7  }
0xc: {  	s31 =	sshll.u32 s23, $0x7;
	s26 =	sadd.s32 s6, s9;
	[dreg:$0x5] =	wrdreg s30  }
0xd: {  	s7 =	sadd.s32 s6, s10;
	s10 =	sor.u32 $0x60, s5;
	[dreg:$0x4] =	wrdreg s26  }
0xe: {  	s11 =	sadd.s32 s1, s8;
	s15 =	sadd.s32 s1, s14;
	[dreg:$0x6] =	wrdreg s7  }
0xf: {  	s8 =	sshll.u32 s16, $0x7;
	s9 =	ssub.s32 s4, s17;
	[dreg:$0x7] =	wrdreg s11  }
0x10: {  	s4 =	sadd.s32 s6, s24;
	s12 =	sshrl.u32 s10, $0x3;
	[dreg:$0x9] =	wrdreg s15  }
0x11: {  	s7 =	sadd.s32 s6, s18;
	s10 =	sshll.u32 s10, $0x7;
	s11 =	sor.u32 $0xA0, s5  }
0x12: {  	s22 =	sadd.s32 s1, s8;
	s5 =	sor.u32 $0xE0, s5;
	[dreg:$0xe] =	wrdreg s4  }
0x13: {  	s4 =	sadd.s32 $0x131500, s0;
	s8 =	simm.s32 $0x2;
	[dreg:$0xa] =	wrdreg s7  }
0x14: {  	s13 =	sadd.s32 s6, s12;
	s19 =	sadd.s32 s1, s10;
	[dreg:$0xd] =	wrdreg s22  }
0x15: {  	s20 =	sshrl.u32 s11, $0x3;
	s25 =	sshll.u32 s11, $0x7;
	[dreg:$0x8] =	wrdreg s13  }
0x16: {  	s29 =	sshrl.u32 s5, $0x3;
	[dreg:$0xb] =	wrdreg s19;
	s21 =	sadd.s32 s6, s20  }
0x17: {  	s5 =	sshll.u32 s5, $0x7;
	s26 =	sadd.s32 s1, s25;
	[dreg:$0xc] =	wrdreg s21  }
0x18: {  	s7 =	smax.u32 s9, $0x1;
	s30 =	sadd.s32 s6, s29;
	[dreg:$0xf] =	wrdreg s26  }
0x19: {  	v2 =	vlaneseq.u32;
	s6 =	sadd.s32 s1, s31;
	s1 =	sadd.s32 s1, s5;
	[dreg:$0x10] =	wrdreg s30  }
0x1a: {  	vm0 =	vmmov $0xffff;
	v1 =	vshrl.u32 v2, $0x3;
	s5 =	sadd.s32 $0x131600, s0;
	s19 =	simm.s32 $0x1;
	[dreg:$0x11] =	wrdreg s6  }
0x1b: {  	v0 =	vand.u32 $0x7, v2;
	v2 =	vor.u32 $0x8, v2;
	v1 =	vmul.u32 $0x8, v1;
	s6 =	sadd.s32 $0x131700, s0;
	[dreg:$0x12] =	wrdreg s1;
	s26 =	simm.s32 $0x8100  }
.LBB2_1:
0x1c: {  	s20 =	rddreg [dreg:$0x3]  }
0x1d: {  	[tilespmem:s2], [sflag:$0x2] =	stream.linear.gather [hbm4b:s20+s2], $0x20, $0x38;
	[tilespmem:$0x10100] =	vst v63  }
0x1e: {  	_ =	swait.ge [sflag:s8], $0x20  }
0x1f: {  	[sflag:s8] =	ssyncset.done $0x0  }
0x20: {  	[sflag:s8] =	ssyncadd.s32 $0xFFFFFFE0  }
0x21: {  	v3 =	vld [tilespmem:$0x0];
	_ =	sdelay $0x4  }
0x22: {  	v4 =	vshll.u32 v3, $0x3  }
0x23: {  	v3 =	vand.u32 $0x7, v3;
	v4 =	vand.u32 $0xFFFFFFC0, v4  }
0x24: {  	v3 =	vor.u32 v3, v4  }
0x25: {  	v4 =	vperm.xlane v3, v0;
	_ =	sdelay $0x1  }
0x26: {  	v4 =	vadd.s32 v1, v4;
	_ =	sdelay $0x4  }
0x27: {  	[tilespmem:s28], [sflag:$0x1] =	stream.indirect_vreg.gather [hbm4b:s3+s2], $0x80, v4, vm0, $0xb8;
	[tilespmem:$0x10100] =	vst v63  }
0x28: {  	s0 =	simm.s32 $0x900;
	v3 =	vperm.xlane v3, v2  }
0x29: {  	[tilespmem:s0], [sflag:$0x1] =	stream.indirect_vreg.gather [hbm4b:s4+s2], $0x80, v4, vm0, $0xb8;
	[tilespmem:$0x10100] =	vst v63  }
0x2a: {  	s11 =	simm.s32 $0x1100;
	v3 =	vadd.s32 v1, v3  }
0x2b: {  	[tilespmem:s11], [sflag:$0x1] =	stream.indirect_vreg.gather [hbm4b:s5+s2], $0x80, v4, vm0, $0xb8;
	[tilespmem:$0x10100] =	vst v63  }
0x2c: {  	s12 =	simm.s32 $0x1900  }
0x2d: {  	[tilespmem:s12], [sflag:$0x1] =	stream.indirect_vreg.gather [hbm4b:s6+s2], $0x80, v4, vm0, $0xb8;
	[tilespmem:$0x10100] =	vst v63  }
0x2e: {  	s13 =	simm.s32 $0x2100  }
0x2f: {  	[tilespmem:s13], [sflag:$0x1] =	stream.indirect_vreg.gather [hbm4b:s3+s2], $0x80, v3, vm0, $0xb8;
	[tilespmem:$0x10100] =	vst v63  }
0x30: {  	s14 =	simm.s32 $0x2900  }
0x31: {  	[tilespmem:s14], [sflag:$0x1] =	stream.indirect_vreg.gather [hbm4b:s4+s2], $0x80, v3, vm0, $0xb8;
	[tilespmem:$0x10100] =	vst v63  }
0x32: {  	s15 =	simm.s32 $0x3100  }
0x33: {  	[tilespmem:s15], [sflag:$0x1] =	stream.indirect_vreg.gather [hbm4b:s5+s2], $0x80, v3, vm0, $0xb8;
	[tilespmem:$0x10100] =	vst v63  }
0x34: {  	s16 =	simm.s32 $0x3900  }
0x35: {  	[tilespmem:s16], [sflag:$0x1] =	stream.indirect_vreg.gather [hbm4b:s6+s2], $0x80, v3, vm0, $0xb8;
	[tilespmem:$0x10100] =	vst v63  }
0x36: {  	v3 =	vld [tilespmem:$0x10];
	_ =	sdelay $0x4  }
0x37: {  	v49 =	vshll.u32 v3, $0x3  }
0x38: {  	v3 =	vand.u32 $0x7, v3;
	v4 =	vand.u32 $0xFFFFFFC0, v49  }
0x39: {  	v3 =	vor.u32 v3, v4  }
0x3a: {  	v4 =	vperm.xlane v3, v0;
	_ =	sdelay $0x1  }
0x3b: {  	v4 =	vadd.s32 v1, v4;
	_ =	sdelay $0x3  }
0x3c: {  	s17 =	simm.s32 $0x4100  }
0x3d: {  	[tilespmem:s17], [sflag:$0x1] =	stream.indirect_vreg.gather [hbm4b:s3+s2], $0x80, v4, vm0, $0xb8;
	[tilespmem:$0x10100] =	vst v63  }
0x3e: {  	s18 =	simm.s32 $0x4900;
	v3 =	vperm.xlane v3, v2  }
0x3f: {  	[tilespmem:s18], [sflag:$0x1] =	stream.indirect_vreg.gather [hbm4b:s4+s2], $0x80, v4, vm0, $0xb8;
	[tilespmem:$0x10100] =	vst v63  }
0x40: {  	s20 =	simm.s32 $0x5100;
	v3 =	vadd.s32 v1, v3  }
0x41: {  	[tilespmem:s20], [sflag:$0x1] =	stream.indirect_vreg.gather [hbm4b:s5+s2], $0x80, v4, vm0, $0xb8;
	[tilespmem:$0x10100] =	vst v63  }
0x42: {  	s21 =	simm.s32 $0x5900  }
0x43: {  	[tilespmem:s21], [sflag:$0x1] =	stream.indirect_vreg.gather [hbm4b:s6+s2], $0x80, v4, vm0, $0xb8;
	[tilespmem:$0x10100] =	vst v63  }
0x44: {  	s22 =	simm.s32 $0x6100  }
0x45: {  	[tilespmem:s22], [sflag:$0x1] =	stream.indirect_vreg.gather [hbm4b:s3+s2], $0x80, v3, vm0, $0xb8;
	[tilespmem:$0x10100] =	vst v63  }
0x46: {  	s23 =	simm.s32 $0x6900  }
0x47: {  	[tilespmem:s23], [sflag:$0x1] =	stream.indirect_vreg.gather [hbm4b:s4+s2], $0x80, v3, vm0, $0xb8;
	[tilespmem:$0x10100] =	vst v63  }
0x48: {  	s24 =	simm.s32 $0x7100  }
0x49: {  	[tilespmem:s24], [sflag:$0x1] =	stream.indirect_vreg.gather [hbm4b:s5+s2], $0x80, v3, vm0, $0xb8;
	[tilespmem:$0x10100] =	vst v63  }
0x4a: {  	s29 =	simm.s32 $0x7900  }
0x4b: {  	[tilespmem:s29], [sflag:$0x1] =	stream.indirect_vreg.gather [hbm4b:s6+s2], $0x80, v3, vm0, $0xb8;
	[tilespmem:$0x10100] =	vst v63  }
0x4c: {  	s30 =	simm.s32 $0x80;
	s25 =	rddreg [dreg:$0x4]  }
0x4d: {  	[tilespmem:s30], [sflag:$0x2] =	stream.linear.gather [hbm4b:s25+s2], $0x20, $0x38;
	[tilespmem:$0x10100] =	vst v63  }
0x4e: {  	_ =	swait.ge [sflag:s8], $0x20  }
0x4f: {  	[sflag:s8] =	ssyncset.done $0x0  }
0x50: {  	[sflag:s8] =	ssyncadd.s32 $0xFFFFFFE0  }
0x51: {  	v3 =	vld [tilespmem:$0x80];
	_ =	sdelay $0x4  }
0x52: {  	v50 =	vshll.u32 v3, $0x3  }
0x53: {  	v3 =	vand.u32 $0x7, v3;
	v4 =	vand.u32 $0xFFFFFFC0, v50  }
0x54: {  	v3 =	vor.u32 v3, v4  }
0x55: {  	v4 =	vperm.xlane v3, v0;
	_ =	sdelay $0x1  }
0x56: {  	v4 =	vadd.s32 v1, v4;
	_ =	sdelay $0x4  }
0x57: {  	[tilespmem:s26], [sflag:$0x1] =	stream.indirect_vreg.gather [hbm4b:s3+s2], $0x80, v4, vm0, $0xb8;
	[tilespmem:$0x10100] =	vst v63  }
0x58: {  	s31 =	simm.s32 $0x8900;
	v3 =	vperm.xlane v3, v2  }
0x59: {  	[tilespmem:s31], [sflag:$0x1] =	stream.indirect_vreg.gather [hbm4b:s4+s2], $0x80, v4, vm0, $0xb8;
	[tilespmem:$0x10100] =	vst v63  }
0x5a: {  	s11 =	simm.s32 $0x9100;
	v3 =	vadd.s32 v1, v3  }
0x5b: {  	[tilespmem:s11], [sflag:$0x1] =	stream.indirect_vreg.gather [hbm4b:s5+s2], $0x80, v4, vm0, $0xb8;
	[tilespmem:$0x10100] =	vst v63  }
0x5c: {  	s16 =	simm.s32 $0x9900  }
0x5d: {  	[tilespmem:s16], [sflag:$0x1] =	stream.indirect_vreg.gather [hbm4b:s6+s2], $0x80, v4, vm0, $0xb8;
	[tilespmem:$0x10100] =	vst v63  }
0x5e: {  	s17 =	simm.s32 $0xA100  }
0x5f: {  	[tilespmem:s17], [sflag:$0x1] =	stream.indirect_vreg.gather [hbm4b:s3+s2], $0x80, v3, vm0, $0xb8;
	[tilespmem:$0x10100] =	vst v63  }
0x60: {  	s18 =	simm.s32 $0xA900  }
0x61: {  	[tilespmem:s18], [sflag:$0x1] =	stream.indirect_vreg.gather [hbm4b:s4+s2], $0x80, v3, vm0, $0xb8;
	[tilespmem:$0x10100] =	vst v63  }
0x62: {  	s21 =	simm.s32 $0xB100  }
0x63: {  	[tilespmem:s21], [sflag:$0x1] =	stream.indirect_vreg.gather [hbm4b:s5+s2], $0x80, v3, vm0, $0xb8;
	[tilespmem:$0x10100] =	vst v63  }
0x64: {  	s22 =	simm.s32 $0xB900  }
0x65: {  	[tilespmem:s22], [sflag:$0x1] =	stream.indirect_vreg.gather [hbm4b:s6+s2], $0x80, v3, vm0, $0xb8;
	[tilespmem:$0x10100] =	vst v63  }
0x66: {  	v3 =	vld [tilespmem:$0x90];
	_ =	sdelay $0x4  }
0x67: {  	v51 =	vshll.u32 v3, $0x3  }
0x68: {  	v3 =	vand.u32 $0x7, v3;
	v4 =	vand.u32 $0xFFFFFFC0, v51  }
0x69: {  	v3 =	vor.u32 v3, v4  }
0x6a: {  	v4 =	vperm.xlane v3, v0;
	_ =	sdelay $0x1  }
0x6b: {  	v4 =	vadd.s32 v1, v4;
	_ =	sdelay $0x3  }
0x6c: {  	s23 =	simm.s32 $0xC100  }
0x6d: {  	[tilespmem:s23], [sflag:$0x1] =	stream.indirect_vreg.gather [hbm4b:s3+s2], $0x80, v4, vm0, $0xb8;
	[tilespmem:$0x10100] =	vst v63  }
0x6e: {  	s24 =	simm.s32 $0xC900;
	v3 =	vperm.xlane v3, v2  }
0x6f: {  	[tilespmem:s24], [sflag:$0x1] =	stream.indirect_vreg.gather [hbm4b:s4+s2], $0x80, v4, vm0, $0xb8;
	[tilespmem:$0x10100] =	vst v63  }
0x70: {  	s25 =	simm.s32 $0xD100;
	v3 =	vadd.s32 v1, v3  }
0x71: {  	[tilespmem:s25], [sflag:$0x1] =	stream.indirect_vreg.gather [hbm4b:s5+s2], $0x80, v4, vm0, $0xb8;
	[tilespmem:$0x10100] =	vst v63  }
0x72: {  	s0 =	simm.s32 $0xD900  }
0x73: {  	[tilespmem:s0], [sflag:$0x1] =	stream.indirect_vreg.gather [hbm4b:s6+s2], $0x80, v4, vm0, $0xb8;
	[tilespmem:$0x10100] =	vst v63  }
0x74: {  	s11 =	simm.s32 $0xE100  }
0x75: {  	[tilespmem:s11], [sflag:$0x1] =	stream.indirect_vreg.gather [hbm4b:s3+s2], $0x80, v3, vm0, $0xb8;
	[tilespmem:$0x10100] =	vst v63  }
0x76: {  	s16 =	simm.s32 $0xE900  }
0x77: {  	[tilespmem:s16], [sflag:$0x1] =	stream.indirect_vreg.gather [hbm4b:s4+s2], $0x80, v3, vm0, $0xb8;
	[tilespmem:$0x10100] =	vst v63  }
0x78: {  	s17 =	simm.s32 $0xF100  }
0x79: {  	[tilespmem:s17], [sflag:$0x1] =	stream.indirect_vreg.gather [hbm4b:s5+s2], $0x80, v3, vm0, $0xb8;
	[tilespmem:$0x10100] =	vst v63  }
0x7a: {  	s23 =	simm.s32 $0xF900  }
0x7b: {  	[tilespmem:s23], [sflag:$0x1] =	stream.indirect_vreg.gather [hbm4b:s6+s2], $0x80, v3, vm0, $0xb8;
	[tilespmem:$0x10100] =	vst v63  }
0x7c: {  	_ =	swait.ge [sflag:s19], $0x8000  }
0x7d: {  	[sflag:s19] =	ssyncset.done $0x0  }
0x7e: {  	s24 =	rddreg [dreg:$0x5];
	[sflag:s19] =	ssyncadd.s32 $0xFFFF8000  }
0x7f: {  	[hbm4b:s24+s2] =	stream.linear.scatter [tilespmem:s28], [sflag:$0x2], $0x8000, $0x38;
	[tilespmem:$0x10100] =	vst v63  }
0x80: {  	_ =	swait.ge [sflag:s8], $0x8000  }
0x81: {  	[sflag:s8] =	ssyncset.done $0x0  }
0x82: {  	s25 =	rddreg [dreg:$0x6];
	[sflag:s8] =	ssyncadd.s32 $0xFFFF8000  }
0x83: {  	[tilespmem:s2], [sflag:$0x2] =	stream.linear.gather [hbm4b:s25+s2], $0x20, $0x38;
	[tilespmem:$0x10100] =	vst v63  }
0x84: {  	_ =	swait.ge [sflag:s8], $0x20  }
0x85: {  	[sflag:s8] =	ssyncset.done $0x0  }
0x86: {  	[sflag:s8] =	ssyncadd.s32 $0xFFFFFFE0  }
0x87: {  	v3 =	vld [tilespmem:$0x0];
	_ =	sdelay $0x4  }
0x88: {  	v52 =	vshll.u32 v3, $0x3  }
0x89: {  	v3 =	vand.u32 $0x7, v3;
	v4 =	vand.u32 $0xFFFFFFC0, v52  }
0x8a: {  	v3 =	vor.u32 v3, v4  }
0x8b: {  	v4 =	vperm.xlane v3, v0;
	_ =	sdelay $0x1  }
0x8c: {  	v4 =	vadd.s32 v1, v4;
	_ =	sdelay $0x4  }
0x8d: {  	[tilespmem:s28], [sflag:$0x1] =	stream.indirect_vreg.gather [hbm4b:s3+s2], $0x80, v4, vm0, $0xb8;
	[tilespmem:$0x10100] =	vst v63  }
0x8e: {  	s10 =	simm.s32 $0x900;
	v3 =	vperm.xlane v3, v2  }
0x8f: {  	[tilespmem:s10], [sflag:$0x1] =	stream.indirect_vreg.gather [hbm4b:s4+s2], $0x80, v4, vm0, $0xb8;
	[tilespmem:$0x10100] =	vst v63  }
0x90: {  	s9 =	simm.s32 $0x1100;
	v3 =	vadd.s32 v1, v3  }
0x91: {  	[tilespmem:s9], [sflag:$0x1] =	stream.indirect_vreg.gather [hbm4b:s5+s2], $0x80, v4, vm0, $0xb8;
	[tilespmem:$0x10100] =	vst v63  }
0x92: {  	s25 =	simm.s32 $0x1900  }
0x93: {  	[tilespmem:s25], [sflag:$0x1] =	stream.indirect_vreg.gather [hbm4b:s6+s2], $0x80, v4, vm0, $0xb8;
	[tilespmem:$0x10100] =	vst v63  }
0x94: {  	s10 =	simm.s32 $0x2100  }
0x95: {  	[tilespmem:s10], [sflag:$0x1] =	stream.indirect_vreg.gather [hbm4b:s3+s2], $0x80, v3, vm0, $0xb8;
	[tilespmem:$0x10100] =	vst v63  }
0x96: {  	s11 =	simm.s32 $0x2900  }
0x97: {  	[tilespmem:s11], [sflag:$0x1] =	stream.indirect_vreg.gather [hbm4b:s4+s2], $0x80, v3, vm0, $0xb8;
	[tilespmem:$0x10100] =	vst v63  }
0x98: {  	s12 =	simm.s32 $0x3100  }
0x99: {  	[tilespmem:s12], [sflag:$0x1] =	stream.indirect_vreg.gather [hbm4b:s5+s2], $0x80, v3, vm0, $0xb8;
	[tilespmem:$0x10100] =	vst v63  }
0x9a: {  	s13 =	simm.s32 $0x3900  }
0x9b: {  	[tilespmem:s13], [sflag:$0x1] =	stream.indirect_vreg.gather [hbm4b:s6+s2], $0x80, v3, vm0, $0xb8;
	[tilespmem:$0x10100] =	vst v63  }
0x9c: {  	v3 =	vld [tilespmem:$0x10];
	_ =	sdelay $0x4  }
0x9d: {  	v53 =	vshll.u32 v3, $0x3  }
0x9e: {  	v3 =	vand.u32 $0x7, v3;
	v4 =	vand.u32 $0xFFFFFFC0, v53  }
0x9f: {  	v3 =	vor.u32 v3, v4  }
0xa0: {  	v4 =	vperm.xlane v3, v0;
	_ =	sdelay $0x1  }
0xa1: {  	v4 =	vadd.s32 v1, v4;
	_ =	sdelay $0x3  }
0xa2: {  	s14 =	simm.s32 $0x4100  }
0xa3: {  	[tilespmem:s14], [sflag:$0x1] =	stream.indirect_vreg.gather [hbm4b:s3+s2], $0x80, v4, vm0, $0xb8;
	[tilespmem:$0x10100] =	vst v63  }
0xa4: {  	s15 =	simm.s32 $0x4900;
	v3 =	vperm.xlane v3, v2  }
0xa5: {  	[tilespmem:s15], [sflag:$0x1] =	stream.indirect_vreg.gather [hbm4b:s4+s2], $0x80, v4, vm0, $0xb8;
	[tilespmem:$0x10100] =	vst v63  }
0xa6: {  	s12 =	simm.s32 $0x5100;
	v3 =	vadd.s32 v1, v3  }
0xa7: {  	[tilespmem:s12], [sflag:$0x1] =	stream.indirect_vreg.gather [hbm4b:s5+s2], $0x80, v4, vm0, $0xb8;
	[tilespmem:$0x10100] =	vst v63  }
0xa8: {  	s13 =	simm.s32 $0x5900  }
0xa9: {  	[tilespmem:s13], [sflag:$0x1] =	stream.indirect_vreg.gather [hbm4b:s6+s2], $0x80, v4, vm0, $0xb8;
	[tilespmem:$0x10100] =	vst v63  }
0xaa: {  	s14 =	simm.s32 $0x6100  }
0xab: {  	[tilespmem:s14], [sflag:$0x1] =	stream.indirect_vreg.gather [hbm4b:s3+s2], $0x80, v3, vm0, $0xb8;
	[tilespmem:$0x10100] =	vst v63  }
0xac: {  	s15 =	simm.s32 $0x6900  }
0xad: {  	[tilespmem:s15], [sflag:$0x1] =	stream.indirect_vreg.gather [hbm4b:s4+s2], $0x80, v3, vm0, $0xb8;
	[tilespmem:$0x10100] =	vst v63  }
0xae: {  	s16 =	simm.s32 $0x7100  }
0xaf: {  	[tilespmem:s16], [sflag:$0x1] =	stream.indirect_vreg.gather [hbm4b:s5+s2], $0x80, v3, vm0, $0xb8;
	[tilespmem:$0x10100] =	vst v63  }
0xb0: {  	s17 =	simm.s32 $0x7900  }
0xb1: {  	[tilespmem:s17], [sflag:$0x1] =	stream.indirect_vreg.gather [hbm4b:s6+s2], $0x80, v3, vm0, $0xb8;
	[tilespmem:$0x10100] =	vst v63  }
0xb2: {  	_ =	swait.ge [sflag:s19], $0x8000  }
0xb3: {  	[sflag:s19] =	ssyncset.done $0x0  }
0xb4: {  	s0 =	rddreg [dreg:$0x7];
	[sflag:s19] =	ssyncadd.s32 $0xFFFF8000  }
0xb5: {  	[hbm4b:s0+s2] =	stream.linear.scatter [tilespmem:s26], [sflag:$0x2], $0x8000, $0x38;
	[tilespmem:$0x10100] =	vst v63  }
0xb6: {  	_ =	swait.ge [sflag:s8], $0x8000  }
0xb7: {  	[sflag:s8] =	ssyncset.done $0x0  }
0xb8: {  	s1 =	simm.s32 $0x80;
	s9 =	rddreg [dreg:$0x8];
	[sflag:s8] =	ssyncadd.s32 $0xFFFF8000  }
0xb9: {  	[tilespmem:s1], [sflag:$0x2] =	stream.linear.gather [hbm4b:s9+s2], $0x20, $0x38;
	[tilespmem:$0x10100] =	vst v63  }
0xba: {  	_ =	swait.ge [sflag:s8], $0x20  }
0xbb: {  	[sflag:s8] =	ssyncset.done $0x0  }
0xbc: {  	[sflag:s8] =	ssyncadd.s32 $0xFFFFFFE0  }
0xbd: {  	v3 =	vld [tilespmem:$0x80];
	_ =	sdelay $0x4  }
0xbe: {  	v54 =	vshll.u32 v3, $0x3  }
0xbf: {  	v3 =	vand.u32 $0x7, v3;
	v4 =	vand.u32 $0xFFFFFFC0, v54  }
0xc0: {  	v3 =	vor.u32 v3, v4  }
0xc1: {  	v4 =	vperm.xlane v3, v0;
	_ =	sdelay $0x1  }
0xc2: {  	v4 =	vadd.s32 v1, v4;
	_ =	sdelay $0x4  }
0xc3: {  	[tilespmem:s26], [sflag:$0x1] =	stream.indirect_vreg.gather [hbm4b:s3+s2], $0x80, v4, vm0, $0xb8;
	[tilespmem:$0x10100] =	vst v63  }
0xc4: {  	s9 =	simm.s32 $0x8900;
	v3 =	vperm.xlane v3, v2  }
0xc5: {  	[tilespmem:s9], [sflag:$0x1] =	stream.indirect_vreg.gather [hbm4b:s4+s2], $0x80, v4, vm0, $0xb8;
	[tilespmem:$0x10100] =	vst v63  }
0xc6: {  	s0 =	simm.s32 $0x9100;
	v3 =	vadd.s32 v1, v3  }
0xc7: {  	[tilespmem:s0], [sflag:$0x1] =	stream.indirect_vreg.gather [hbm4b:s5+s2], $0x80, v4, vm0, $0xb8;
	[tilespmem:$0x10100] =	vst v63  }
0xc8: {  	s1 =	simm.s32 $0x9900  }
0xc9: {  	[tilespmem:s1], [sflag:$0x1] =	stream.indirect_vreg.gather [hbm4b:s6+s2], $0x80, v4, vm0, $0xb8;
	[tilespmem:$0x10100] =	vst v63  }
0xca: {  	s31 =	simm.s32 $0xA100  }
0xcb: {  	[tilespmem:s31], [sflag:$0x1] =	stream.indirect_vreg.gather [hbm4b:s3+s2], $0x80, v3, vm0, $0xb8;
	[tilespmem:$0x10100] =	vst v63  }
0xcc: {  	s29 =	simm.s32 $0xA900  }
0xcd: {  	[tilespmem:s29], [sflag:$0x1] =	stream.indirect_vreg.gather [hbm4b:s4+s2], $0x80, v3, vm0, $0xb8;
	[tilespmem:$0x10100] =	vst v63  }
0xce: {  	s30 =	simm.s32 $0xB100  }
0xcf: {  	[tilespmem:s30], [sflag:$0x1] =	stream.indirect_vreg.gather [hbm4b:s5+s2], $0x80, v3, vm0, $0xb8;
	[tilespmem:$0x10100] =	vst v63  }
0xd0: {  	s18 =	simm.s32 $0xB900  }
0xd1: {  	[tilespmem:s18], [sflag:$0x1] =	stream.indirect_vreg.gather [hbm4b:s6+s2], $0x80, v3, vm0, $0xb8;
	[tilespmem:$0x10100] =	vst v63  }
0xd2: {  	v3 =	vld [tilespmem:$0x90];
	_ =	sdelay $0x4  }
0xd3: {  	v55 =	vshll.u32 v3, $0x3  }
0xd4: {  	v3 =	vand.u32 $0x7, v3;
	v4 =	vand.u32 $0xFFFFFFC0, v55  }
0xd5: {  	v3 =	vor.u32 v3, v4  }
0xd6: {  	v4 =	vperm.xlane v3, v0;
	_ =	sdelay $0x1  }
0xd7: {  	v4 =	vadd.s32 v1, v4;
	_ =	sdelay $0x3  }
0xd8: {  	s21 =	simm.s32 $0xC100  }
0xd9: {  	[tilespmem:s21], [sflag:$0x1] =	stream.indirect_vreg.gather [hbm4b:s3+s2], $0x80, v4, vm0, $0xb8;
	[tilespmem:$0x10100] =	vst v63  }
0xda: {  	s22 =	simm.s32 $0xC900;
	v3 =	vperm.xlane v3, v2  }
0xdb: {  	[tilespmem:s22], [sflag:$0x1] =	stream.indirect_vreg.gather [hbm4b:s4+s2], $0x80, v4, vm0, $0xb8;
	[tilespmem:$0x10100] =	vst v63  }
0xdc: {  	v3 =	vadd.s32 v1, v3;
	s21 =	simm.s32 $0xD100  }
0xdd: {  	[tilespmem:s21], [sflag:$0x1] =	stream.indirect_vreg.gather [hbm4b:s5+s2], $0x80, v4, vm0, $0xb8;
	[tilespmem:$0x10100] =	vst v63  }
0xde: {  	s22 =	simm.s32 $0xD900  }
0xdf: {  	[tilespmem:s22], [sflag:$0x1] =	stream.indirect_vreg.gather [hbm4b:s6+s2], $0x80, v4, vm0, $0xb8;
	[tilespmem:$0x10100] =	vst v63  }
0xe0: {  	s31 =	simm.s32 $0xE100  }
0xe1: {  	[tilespmem:s31], [sflag:$0x1] =	stream.indirect_vreg.gather [hbm4b:s3+s2], $0x80, v3, vm0, $0xb8;
	[tilespmem:$0x10100] =	vst v63  }
0xe2: {  	s20 =	simm.s32 $0xE900  }
0xe3: {  	[tilespmem:s20], [sflag:$0x1] =	stream.indirect_vreg.gather [hbm4b:s4+s2], $0x80, v3, vm0, $0xb8;
	[tilespmem:$0x10100] =	vst v63  }
0xe4: {  	s21 =	simm.s32 $0xF100  }
0xe5: {  	[tilespmem:s21], [sflag:$0x1] =	stream.indirect_vreg.gather [hbm4b:s5+s2], $0x80, v3, vm0, $0xb8;
	[tilespmem:$0x10100] =	vst v63  }
0xe6: {  	s23 =	simm.s32 $0xF900  }
0xe7: {  	[tilespmem:s23], [sflag:$0x1] =	stream.indirect_vreg.gather [hbm4b:s6+s2], $0x80, v3, vm0, $0xb8;
	[tilespmem:$0x10100] =	vst v63  }
0xe8: {  	_ =	swait.ge [sflag:s19], $0x8000  }
0xe9: {  	[sflag:s19] =	ssyncset.done $0x0  }
0xea: {  	s23 =	rddreg [dreg:$0x9];
	[sflag:s19] =	ssyncadd.s32 $0xFFFF8000  }
0xeb: {  	[hbm4b:s23+s2] =	stream.linear.scatter [tilespmem:s28], [sflag:$0x2], $0x8000, $0x38;
	[tilespmem:$0x10100] =	vst v63  }
0xec: {  	_ =	swait.ge [sflag:s8], $0x8000  }
0xed: {  	[sflag:s8] =	ssyncset.done $0x0  }
0xee: {  	s23 =	rddreg [dreg:$0xa];
	[sflag:s8] =	ssyncadd.s32 $0xFFFF8000  }
0xef: {  	[tilespmem:s2], [sflag:$0x2] =	stream.linear.gather [hbm4b:s23+s2], $0x20, $0x38;
	[tilespmem:$0x10100] =	vst v63  }
0xf0: {  	_ =	swait.ge [sflag:s8], $0x20  }
0xf1: {  	[sflag:s8] =	ssyncset.done $0x0  }
0xf2: {  	[sflag:s8] =	ssyncadd.s32 $0xFFFFFFE0  }
0xf3: {  	v3 =	vld [tilespmem:$0x0];
	_ =	sdelay $0x4  }
0xf4: {  	v56 =	vshll.u32 v3, $0x3  }
0xf5: {  	v3 =	vand.u32 $0x7, v3;
	v4 =	vand.u32 $0xFFFFFFC0, v56  }
0xf6: {  	v3 =	vor.u32 v3, v4  }
0xf7: {  	v4 =	vperm.xlane v3, v0;
	_ =	sdelay $0x1  }
0xf8: {  	v4 =	vadd.s32 v1, v4;
	_ =	sdelay $0x4  }
0xf9: {  	[tilespmem:s28], [sflag:$0x1] =	stream.indirect_vreg.gather [hbm4b:s3+s2], $0x80, v4, vm0, $0xb8;
	[tilespmem:$0x10100] =	vst v63  }
0xfa: {  	s23 =	simm.s32 $0x900;
	v3 =	vperm.xlane v3, v2  }
0xfb: {  	[tilespmem:s23], [sflag:$0x1] =	stream.indirect_vreg.gather [hbm4b:s4+s2], $0x80, v4, vm0, $0xb8;
	[tilespmem:$0x10100] =	vst v63  }
0xfc: {  	s24 =	simm.s32 $0x1100;
	v3 =	vadd.s32 v1, v3  }
0xfd: {  	[tilespmem:s24], [sflag:$0x1] =	stream.indirect_vreg.gather [hbm4b:s5+s2], $0x80, v4, vm0, $0xb8;
	[tilespmem:$0x10100] =	vst v63  }
0xfe: {  	_ = 	snop  }
0xff: {  	[tilespmem:s25], [sflag:$0x1] =	stream.indirect_vreg.gather [hbm4b:s6+s2], $0x80, v4, vm0, $0xb8;
	[tilespmem:$0x10100] =	vst v63  }
0x100: {  	_ = 	snop  }
0x101: {  	[tilespmem:s10], [sflag:$0x1] =	stream.indirect_vreg.gather [hbm4b:s3+s2], $0x80, v3, vm0, $0xb8;
	[tilespmem:$0x10100] =	vst v63  }
0x102: {  	_ = 	snop  }
0x103: {  	[tilespmem:s11], [sflag:$0x1] =	stream.indirect_vreg.gather [hbm4b:s4+s2], $0x80, v3, vm0, $0xb8;
	[tilespmem:$0x10100] =	vst v63  }
0x104: {  	s25 =	simm.s32 $0x3100  }
0x105: {  	[tilespmem:s25], [sflag:$0x1] =	stream.indirect_vreg.gather [hbm4b:s5+s2], $0x80, v3, vm0, $0xb8;
	[tilespmem:$0x10100] =	vst v63  }
0x106: {  	s23 =	simm.s32 $0x3900  }
0x107: {  	[tilespmem:s23], [sflag:$0x1] =	stream.indirect_vreg.gather [hbm4b:s6+s2], $0x80, v3, vm0, $0xb8;
	[tilespmem:$0x10100] =	vst v63  }
0x108: {  	v3 =	vld [tilespmem:$0x10];
	_ =	sdelay $0x4  }
0x109: {  	v57 =	vshll.u32 v3, $0x3  }
0x10a: {  	v3 =	vand.u32 $0x7, v3;
	v4 =	vand.u32 $0xFFFFFFC0, v57  }
0x10b: {  	v3 =	vor.u32 v3, v4  }
0x10c: {  	v4 =	vperm.xlane v3, v0;
	_ =	sdelay $0x1  }
0x10d: {  	v4 =	vadd.s32 v1, v4;
	_ =	sdelay $0x3  }
0x10e: {  	s25 =	simm.s32 $0x4100  }
0x10f: {  	[tilespmem:s25], [sflag:$0x1] =	stream.indirect_vreg.gather [hbm4b:s3+s2], $0x80, v4, vm0, $0xb8;
	[tilespmem:$0x10100] =	vst v63  }
0x110: {  	s23 =	simm.s32 $0x4900;
	v3 =	vperm.xlane v3, v2  }
0x111: {  	[tilespmem:s23], [sflag:$0x1] =	stream.indirect_vreg.gather [hbm4b:s4+s2], $0x80, v4, vm0, $0xb8;
	[tilespmem:$0x10100] =	vst v63  }
0x112: {  	v3 =	vadd.s32 v1, v3  }
0x113: {  	[tilespmem:s12], [sflag:$0x1] =	stream.indirect_vreg.gather [hbm4b:s5+s2], $0x80, v4, vm0, $0xb8;
	[tilespmem:$0x10100] =	vst v63  }
0x114: {  	_ = 	snop  }
0x115: {  	[tilespmem:s13], [sflag:$0x1] =	stream.indirect_vreg.gather [hbm4b:s6+s2], $0x80, v4, vm0, $0xb8;
	[tilespmem:$0x10100] =	vst v63  }
0x116: {  	_ = 	snop  }
0x117: {  	[tilespmem:s14], [sflag:$0x1] =	stream.indirect_vreg.gather [hbm4b:s3+s2], $0x80, v3, vm0, $0xb8;
	[tilespmem:$0x10100] =	vst v63  }
0x118: {  	_ = 	snop  }
0x119: {  	[tilespmem:s15], [sflag:$0x1] =	stream.indirect_vreg.gather [hbm4b:s4+s2], $0x80, v3, vm0, $0xb8;
	[tilespmem:$0x10100] =	vst v63  }
0x11a: {  	_ = 	snop  }
0x11b: {  	[tilespmem:s16], [sflag:$0x1] =	stream.indirect_vreg.gather [hbm4b:s5+s2], $0x80, v3, vm0, $0xb8;
	[tilespmem:$0x10100] =	vst v63  }
0x11c: {  	_ = 	snop  }
0x11d: {  	[tilespmem:s17], [sflag:$0x1] =	stream.indirect_vreg.gather [hbm4b:s6+s2], $0x80, v3, vm0, $0xb8;
	[tilespmem:$0x10100] =	vst v63  }
0x11e: {  	_ =	swait.ge [sflag:s19], $0x8000  }
0x11f: {  	[sflag:s19] =	ssyncset.done $0x0  }
0x120: {  	s25 =	rddreg [dreg:$0xb];
	[sflag:s19] =	ssyncadd.s32 $0xFFFF8000  }
0x121: {  	[hbm4b:s25+s2] =	stream.linear.scatter [tilespmem:s26], [sflag:$0x2], $0x8000, $0x38;
	[tilespmem:$0x10100] =	vst v63  }
0x122: {  	_ =	swait.ge [sflag:s8], $0x8000  }
0x123: {  	[sflag:s8] =	ssyncset.done $0x0  }
0x124: {  	s25 =	simm.s32 $0x80;
	s23 =	rddreg [dreg:$0xc];
	[sflag:s8] =	ssyncadd.s32 $0xFFFF8000  }
0x125: {  	[tilespmem:s25], [sflag:$0x2] =	stream.linear.gather [hbm4b:s23+s2], $0x20, $0x38;
	[tilespmem:$0x10100] =	vst v63  }
0x126: {  	_ =	swait.ge [sflag:s8], $0x20  }
0x127: {  	[sflag:s8] =	ssyncset.done $0x0  }
0x128: {  	[sflag:s8] =	ssyncadd.s32 $0xFFFFFFE0  }
0x129: {  	v3 =	vld [tilespmem:$0x80];
	_ =	sdelay $0x4  }
0x12a: {  	v58 =	vshll.u32 v3, $0x3  }
0x12b: {  	v3 =	vand.u32 $0x7, v3;
	v4 =	vand.u32 $0xFFFFFFC0, v58  }
0x12c: {  	v3 =	vor.u32 v3, v4  }
0x12d: {  	v4 =	vperm.xlane v3, v0;
	_ =	sdelay $0x1  }
0x12e: {  	v4 =	vadd.s32 v1, v4;
	_ =	sdelay $0x4  }
0x12f: {  	[tilespmem:s26], [sflag:$0x1] =	stream.indirect_vreg.gather [hbm4b:s3+s2], $0x80, v4, vm0, $0xb8;
	[tilespmem:$0x10100] =	vst v63  }
0x130: {  	v3 =	vperm.xlane v3, v2  }
0x131: {  	[tilespmem:s9], [sflag:$0x1] =	stream.indirect_vreg.gather [hbm4b:s4+s2], $0x80, v4, vm0, $0xb8;
	[tilespmem:$0x10100] =	vst v63  }
0x132: {  	v3 =	vadd.s32 v1, v3  }
0x133: {  	[tilespmem:s0], [sflag:$0x1] =	stream.indirect_vreg.gather [hbm4b:s5+s2], $0x80, v4, vm0, $0xb8;
	[tilespmem:$0x10100] =	vst v63  }
0x134: {  	_ = 	snop  }
0x135: {  	[tilespmem:s1], [sflag:$0x1] =	stream.indirect_vreg.gather [hbm4b:s6+s2], $0x80, v4, vm0, $0xb8;
	[tilespmem:$0x10100] =	vst v63  }
0x136: {  	s25 =	simm.s32 $0xA100  }
0x137: {  	[tilespmem:s25], [sflag:$0x1] =	stream.indirect_vreg.gather [hbm4b:s3+s2], $0x80, v3, vm0, $0xb8;
	[tilespmem:$0x10100] =	vst v63  }
0x138: {  	s29 =	simm.s32 $0xA900  }
0x139: {  	[tilespmem:s29], [sflag:$0x1] =	stream.indirect_vreg.gather [hbm4b:s4+s2], $0x80, v3, vm0, $0xb8;
	[tilespmem:$0x10100] =	vst v63  }
0x13a: {  	s30 =	simm.s32 $0xB100  }
0x13b: {  	[tilespmem:s30], [sflag:$0x1] =	stream.indirect_vreg.gather [hbm4b:s5+s2], $0x80, v3, vm0, $0xb8;
	[tilespmem:$0x10100] =	vst v63  }
0x13c: {  	s29 =	simm.s32 $0xB900  }
0x13d: {  	[tilespmem:s29], [sflag:$0x1] =	stream.indirect_vreg.gather [hbm4b:s6+s2], $0x80, v3, vm0, $0xb8;
	[tilespmem:$0x10100] =	vst v63  }
0x13e: {  	v3 =	vld [tilespmem:$0x90];
	_ =	sdelay $0x4  }
0x13f: {  	v59 =	vshll.u32 v3, $0x3  }
0x140: {  	v3 =	vand.u32 $0x7, v3;
	v4 =	vand.u32 $0xFFFFFFC0, v59  }
0x141: {  	v3 =	vor.u32 v3, v4  }
0x142: {  	v4 =	vperm.xlane v3, v0;
	_ =	sdelay $0x1  }
0x143: {  	v4 =	vadd.s32 v1, v4;
	_ =	sdelay $0x3  }
0x144: {  	s30 =	simm.s32 $0xC100  }
0x145: {  	[tilespmem:s30], [sflag:$0x1] =	stream.indirect_vreg.gather [hbm4b:s3+s2], $0x80, v4, vm0, $0xb8;
	[tilespmem:$0x10100] =	vst v63  }
0x146: {  	s29 =	simm.s32 $0xC900;
	v3 =	vperm.xlane v3, v2  }
0x147: {  	[tilespmem:s29], [sflag:$0x1] =	stream.indirect_vreg.gather [hbm4b:s4+s2], $0x80, v4, vm0, $0xb8;
	[tilespmem:$0x10100] =	vst v63  }
0x148: {  	v3 =	vadd.s32 v1, v3;
	s30 =	simm.s32 $0xD100  }
0x149: {  	[tilespmem:s30], [sflag:$0x1] =	stream.indirect_vreg.gather [hbm4b:s5+s2], $0x80, v4, vm0, $0xb8;
	[tilespmem:$0x10100] =	vst v63  }
0x14a: {  	s22 =	simm.s32 $0xD900  }
0x14b: {  	[tilespmem:s22], [sflag:$0x1] =	stream.indirect_vreg.gather [hbm4b:s6+s2], $0x80, v4, vm0, $0xb8;
	[tilespmem:$0x10100] =	vst v63  }
0x14c: {  	s31 =	simm.s32 $0xE100  }
0x14d: {  	[tilespmem:s31], [sflag:$0x1] =	stream.indirect_vreg.gather [hbm4b:s3+s2], $0x80, v3, vm0, $0xb8;
	[tilespmem:$0x10100] =	vst v63  }
0x14e: {  	s18 =	simm.s32 $0xE900  }
0x14f: {  	[tilespmem:s18], [sflag:$0x1] =	stream.indirect_vreg.gather [hbm4b:s4+s2], $0x80, v3, vm0, $0xb8;
	[tilespmem:$0x10100] =	vst v63  }
0x150: {  	s21 =	simm.s32 $0xF100  }
0x151: {  	[tilespmem:s21], [sflag:$0x1] =	stream.indirect_vreg.gather [hbm4b:s5+s2], $0x80, v3, vm0, $0xb8;
	[tilespmem:$0x10100] =	vst v63  }
0x152: {  	s21 =	simm.s32 $0xF900  }
0x153: {  	[tilespmem:s21], [sflag:$0x1] =	stream.indirect_vreg.gather [hbm4b:s6+s2], $0x80, v3, vm0, $0xb8;
	[tilespmem:$0x10100] =	vst v63  }
0x154: {  	_ =	swait.ge [sflag:s19], $0x8000  }
0x155: {  	[sflag:s19] =	ssyncset.done $0x0  }
0x156: {  	s31 =	rddreg [dreg:$0xd];
	[sflag:s19] =	ssyncadd.s32 $0xFFFF8000  }
0x157: {  	[hbm4b:s31+s2] =	stream.linear.scatter [tilespmem:s28], [sflag:$0x2], $0x8000, $0x38;
	[tilespmem:$0x10100] =	vst v63  }
0x158: {  	_ =	swait.ge [sflag:s8], $0x8000  }
0x159: {  	[sflag:s8] =	ssyncset.done $0x0  }
0x15a: {  	s31 =	rddreg [dreg:$0xe];
	[sflag:s8] =	ssyncadd.s32 $0xFFFF8000  }
0x15b: {  	[tilespmem:s2], [sflag:$0x2] =	stream.linear.gather [hbm4b:s31+s2], $0x20, $0x38;
	[tilespmem:$0x10100] =	vst v63  }
0x15c: {  	_ =	swait.ge [sflag:s8], $0x20  }
0x15d: {  	[sflag:s8] =	ssyncset.done $0x0  }
0x15e: {  	[sflag:s8] =	ssyncadd.s32 $0xFFFFFFE0  }
0x15f: {  	v3 =	vld [tilespmem:$0x0];
	_ =	sdelay $0x4  }
0x160: {  	v60 =	vshll.u32 v3, $0x3  }
0x161: {  	v3 =	vand.u32 $0x7, v3;
	v4 =	vand.u32 $0xFFFFFFC0, v60  }
0x162: {  	v3 =	vor.u32 v3, v4  }
0x163: {  	v4 =	vperm.xlane v3, v0;
	_ =	sdelay $0x1  }
0x164: {  	v4 =	vadd.s32 v1, v4;
	_ =	sdelay $0x4  }
0x165: {  	[tilespmem:s28], [sflag:$0x1] =	stream.indirect_vreg.gather [hbm4b:s3+s2], $0x80, v4, vm0, $0xb8;
	[tilespmem:$0x10100] =	vst v63  }
0x166: {  	s31 =	simm.s32 $0x900;
	v3 =	vperm.xlane v3, v2  }
0x167: {  	[tilespmem:s31], [sflag:$0x1] =	stream.indirect_vreg.gather [hbm4b:s4+s2], $0x80, v4, vm0, $0xb8;
	[tilespmem:$0x10100] =	vst v63  }
0x168: {  	v3 =	vadd.s32 v1, v3;
	s31 =	simm.s32 $0x1100  }
0x169: {  	[tilespmem:s31], [sflag:$0x1] =	stream.indirect_vreg.gather [hbm4b:s5+s2], $0x80, v4, vm0, $0xb8;
	[tilespmem:$0x10100] =	vst v63  }
0x16a: {  	s24 =	simm.s32 $0x1900  }
0x16b: {  	[tilespmem:s24], [sflag:$0x1] =	stream.indirect_vreg.gather [hbm4b:s6+s2], $0x80, v4, vm0, $0xb8;
	[tilespmem:$0x10100] =	vst v63  }
0x16c: {  	s10 =	simm.s32 $0x2100  }
0x16d: {  	[tilespmem:s10], [sflag:$0x1] =	stream.indirect_vreg.gather [hbm4b:s3+s2], $0x80, v3, vm0, $0xb8;
	[tilespmem:$0x10100] =	vst v63  }
0x16e: {  	s11 =	simm.s32 $0x2900  }
0x16f: {  	[tilespmem:s11], [sflag:$0x1] =	stream.indirect_vreg.gather [hbm4b:s4+s2], $0x80, v3, vm0, $0xb8;
	[tilespmem:$0x10100] =	vst v63  }
0x170: {  	s20 =	simm.s32 $0x3100  }
0x171: {  	[tilespmem:s20], [sflag:$0x1] =	stream.indirect_vreg.gather [hbm4b:s5+s2], $0x80, v3, vm0, $0xb8;
	[tilespmem:$0x10100] =	vst v63  }
0x172: {  	s24 =	simm.s32 $0x3900  }
0x173: {  	[tilespmem:s24], [sflag:$0x1] =	stream.indirect_vreg.gather [hbm4b:s6+s2], $0x80, v3, vm0, $0xb8;
	[tilespmem:$0x10100] =	vst v63  }
0x174: {  	v3 =	vld [tilespmem:$0x10];
	_ =	sdelay $0x4  }
0x175: {  	v61 =	vshll.u32 v3, $0x3  }
0x176: {  	v3 =	vand.u32 $0x7, v3;
	v4 =	vand.u32 $0xFFFFFFC0, v61  }
0x177: {  	v3 =	vor.u32 v3, v4  }
0x178: {  	v4 =	vperm.xlane v3, v0;
	_ =	sdelay $0x1  }
0x179: {  	v4 =	vadd.s32 v1, v4;
	_ =	sdelay $0x3  }
0x17a: {  	s31 =	simm.s32 $0x4100  }
0x17b: {  	[tilespmem:s31], [sflag:$0x1] =	stream.indirect_vreg.gather [hbm4b:s3+s2], $0x80, v4, vm0, $0xb8;
	[tilespmem:$0x10100] =	vst v63  }
0x17c: {  	s11 =	simm.s32 $0x4900;
	v3 =	vperm.xlane v3, v2  }
0x17d: {  	[tilespmem:s11], [sflag:$0x1] =	stream.indirect_vreg.gather [hbm4b:s4+s2], $0x80, v4, vm0, $0xb8;
	[tilespmem:$0x10100] =	vst v63  }
0x17e: {  	s12 =	simm.s32 $0x5100;
	v3 =	vadd.s32 v1, v3  }
0x17f: {  	[tilespmem:s12], [sflag:$0x1] =	stream.indirect_vreg.gather [hbm4b:s5+s2], $0x80, v4, vm0, $0xb8;
	[tilespmem:$0x10100] =	vst v63  }
0x180: {  	s13 =	simm.s32 $0x5900  }
0x181: {  	[tilespmem:s13], [sflag:$0x1] =	stream.indirect_vreg.gather [hbm4b:s6+s2], $0x80, v4, vm0, $0xb8;
	[tilespmem:$0x10100] =	vst v63  }
0x182: {  	s14 =	simm.s32 $0x6100  }
0x183: {  	[tilespmem:s14], [sflag:$0x1] =	stream.indirect_vreg.gather [hbm4b:s3+s2], $0x80, v3, vm0, $0xb8;
	[tilespmem:$0x10100] =	vst v63  }
0x184: {  	s15 =	simm.s32 $0x6900  }
0x185: {  	[tilespmem:s15], [sflag:$0x1] =	stream.indirect_vreg.gather [hbm4b:s4+s2], $0x80, v3, vm0, $0xb8;
	[tilespmem:$0x10100] =	vst v63  }
0x186: {  	s16 =	simm.s32 $0x7100  }
0x187: {  	[tilespmem:s16], [sflag:$0x1] =	stream.indirect_vreg.gather [hbm4b:s5+s2], $0x80, v3, vm0, $0xb8;
	[tilespmem:$0x10100] =	vst v63  }
0x188: {  	s17 =	simm.s32 $0x7900  }
0x189: {  	[tilespmem:s17], [sflag:$0x1] =	stream.indirect_vreg.gather [hbm4b:s6+s2], $0x80, v3, vm0, $0xb8;
	[tilespmem:$0x10100] =	vst v63  }
0x18a: {  	_ =	swait.ge [sflag:s19], $0x8000  }
0x18b: {  	[sflag:s19] =	ssyncset.done $0x0  }
0x18c: {  	s14 =	rddreg [dreg:$0xf];
	[sflag:s19] =	ssyncadd.s32 $0xFFFF8000  }
0x18d: {  	[hbm4b:s14+s2] =	stream.linear.scatter [tilespmem:s26], [sflag:$0x2], $0x8000, $0x38;
	[tilespmem:$0x10100] =	vst v63  }
0x18e: {  	_ =	swait.ge [sflag:s8], $0x8000  }
0x18f: {  	[sflag:s8] =	ssyncset.done $0x0  }
0x190: {  	s16 =	simm.s32 $0x80;
	s15 =	rddreg [dreg:$0x10];
	[sflag:s8] =	ssyncadd.s32 $0xFFFF8000  }
0x191: {  	[tilespmem:s16], [sflag:$0x2] =	stream.linear.gather [hbm4b:s15+s2], $0x20, $0x38;
	[tilespmem:$0x10100] =	vst v63  }
0x192: {  	_ =	swait.ge [sflag:s8], $0x20  }
0x193: {  	[sflag:s8] =	ssyncset.done $0x0  }
0x194: {  	[sflag:s8] =	ssyncadd.s32 $0xFFFFFFE0  }
0x195: {  	v3 =	vld [tilespmem:$0x80];
	_ =	sdelay $0x4  }
0x196: {  	v62 =	vshll.u32 v3, $0x3  }
0x197: {  	v3 =	vand.u32 $0x7, v3;
	v4 =	vand.u32 $0xFFFFFFC0, v62  }
0x198: {  	v3 =	vor.u32 v3, v4  }
0x199: {  	v4 =	vperm.xlane v3, v0;
	_ =	sdelay $0x1  }
0x19a: {  	v4 =	vadd.s32 v1, v4;
	_ =	sdelay $0x4  }
0x19b: {  	[tilespmem:s26], [sflag:$0x1] =	stream.indirect_vreg.gather [hbm4b:s3+s2], $0x80, v4, vm0, $0xb8;
	[tilespmem:$0x10100] =	vst v63  }
0x19c: {  	s9 =	simm.s32 $0x8900;
	v3 =	vperm.xlane v3, v2  }
0x19d: {  	[tilespmem:s9], [sflag:$0x1] =	stream.indirect_vreg.gather [hbm4b:s4+s2], $0x80, v4, vm0, $0xb8;
	[tilespmem:$0x10100] =	vst v63  }
0x19e: {  	s0 =	simm.s32 $0x9100;
	v3 =	vadd.s32 v1, v3  }
0x19f: {  	[tilespmem:s0], [sflag:$0x1] =	stream.indirect_vreg.gather [hbm4b:s5+s2], $0x80, v4, vm0, $0xb8;
	[tilespmem:$0x10100] =	vst v63  }
0x1a0: {  	s1 =	simm.s32 $0x9900  }
0x1a1: {  	[tilespmem:s1], [sflag:$0x1] =	stream.indirect_vreg.gather [hbm4b:s6+s2], $0x80, v4, vm0, $0xb8;
	[tilespmem:$0x10100] =	vst v63  }
0x1a2: {  	s17 =	simm.s32 $0xA100  }
0x1a3: {  	[tilespmem:s17], [sflag:$0x1] =	stream.indirect_vreg.gather [hbm4b:s3+s2], $0x80, v3, vm0, $0xb8;
	[tilespmem:$0x10100] =	vst v63  }
0x1a4: {  	s23 =	simm.s32 $0xA900  }
0x1a5: {  	[tilespmem:s23], [sflag:$0x1] =	stream.indirect_vreg.gather [hbm4b:s4+s2], $0x80, v3, vm0, $0xb8;
	[tilespmem:$0x10100] =	vst v63  }
0x1a6: {  	s25 =	simm.s32 $0xB100  }
0x1a7: {  	[tilespmem:s25], [sflag:$0x1] =	stream.indirect_vreg.gather [hbm4b:s5+s2], $0x80, v3, vm0, $0xb8;
	[tilespmem:$0x10100] =	vst v63  }
0x1a8: {  	s20 =	simm.s32 $0xB900  }
0x1a9: {  	[tilespmem:s20], [sflag:$0x1] =	stream.indirect_vreg.gather [hbm4b:s6+s2], $0x80, v3, vm0, $0xb8;
	[tilespmem:$0x10100] =	vst v63  }
0x1aa: {  	v3 =	vld [tilespmem:$0x90];
	_ =	sdelay $0x4  }
0x1ab: {  	v63 =	vshll.u32 v3, $0x3  }
0x1ac: {  	v3 =	vand.u32 $0x7, v3;
	v4 =	vand.u32 $0xFFFFFFC0, v63  }
0x1ad: {  	v3 =	vor.u32 v3, v4  }
0x1ae: {  	v4 =	vperm.xlane v3, v0;
	_ =	sdelay $0x1  }
0x1af: {  	v4 =	vadd.s32 v1, v4;
	_ =	sdelay $0x3  }
0x1b0: {  	s23 =	simm.s32 $0xC100  }
0x1b1: {  	[tilespmem:s23], [sflag:$0x1] =	stream.indirect_vreg.gather [hbm4b:s3+s2], $0x80, v4, vm0, $0xb8;
	[tilespmem:$0x10100] =	vst v63  }
0x1b2: {  	s24 =	simm.s32 $0xC900;
	v3 =	vperm.xlane v3, v2  }
0x1b3: {  	[tilespmem:s24], [sflag:$0x1] =	stream.indirect_vreg.gather [hbm4b:s4+s2], $0x80, v4, vm0, $0xb8;
	[tilespmem:$0x10100] =	vst v63  }
0x1b4: {  	s25 =	simm.s32 $0xD100;
	v3 =	vadd.s32 v1, v3  }
0x1b5: {  	[tilespmem:s25], [sflag:$0x1] =	stream.indirect_vreg.gather [hbm4b:s5+s2], $0x80, v4, vm0, $0xb8;
	[tilespmem:$0x10100] =	vst v63  }
0x1b6: {  	s30 =	simm.s32 $0xD900  }
0x1b7: {  	[tilespmem:s30], [sflag:$0x1] =	stream.indirect_vreg.gather [hbm4b:s6+s2], $0x80, v4, vm0, $0xb8;
	[tilespmem:$0x10100] =	vst v63  }
0x1b8: {  	s22 =	simm.s32 $0xE100  }
0x1b9: {  	[tilespmem:s22], [sflag:$0x1] =	stream.indirect_vreg.gather [hbm4b:s3+s2], $0x80, v3, vm0, $0xb8;
	[tilespmem:$0x10100] =	vst v63  }
0x1ba: {  	s29 =	simm.s32 $0xE900  }
0x1bb: {  	[tilespmem:s29], [sflag:$0x1] =	stream.indirect_vreg.gather [hbm4b:s4+s2], $0x80, v3, vm0, $0xb8;
	[tilespmem:$0x10100] =	vst v63  }
0x1bc: {  	s18 =	simm.s32 $0xF100  }
0x1bd: {  	[tilespmem:s18], [sflag:$0x1] =	stream.indirect_vreg.gather [hbm4b:s5+s2], $0x80, v3, vm0, $0xb8;
	[tilespmem:$0x10100] =	vst v63  }
0x1be: {  	s21 =	simm.s32 $0xF900  }
0x1bf: {  	[tilespmem:s21], [sflag:$0x1] =	stream.indirect_vreg.gather [hbm4b:s6+s2], $0x80, v3, vm0, $0xb8;
	[tilespmem:$0x10100] =	vst v63  }
0x1c0: {  	_ =	swait.ge [sflag:s19], $0x8000  }
0x1c1: {  	[sflag:s19] =	ssyncset.done $0x0  }
0x1c2: {  	s30 =	rddreg [dreg:$0x11];
	[sflag:s19] =	ssyncadd.s32 $0xFFFF8000  }
0x1c3: {  	[hbm4b:s30+s2] =	stream.linear.scatter [tilespmem:s28], [sflag:$0x2], $0x8000, $0x38;
	[tilespmem:$0x10100] =	vst v63  }
0x1c4: {  	_ =	swait.ge [sflag:s8], $0x8000  }
0x1c5: {  	[sflag:s8] =	ssyncset.done $0x0  }
0x1c6: {  	[sflag:s8] =	ssyncadd.s32 $0xFFFF8000  }
0x1c7: {  	_ =	swait.ge [sflag:s19], $0x8000  }
0x1c8: {  	p0 =	sne.s32 s7, $0x1;
	[sflag:s19] =	ssyncset.done $0x0  }
.Ltmp0:
0x1c9: {  	s31 =	rddreg [dreg:$0x12];
	[sflag:s19] =	ssyncadd.s32 $0xFFFF8000;
	(pc) =	sbr.rel @p0 .LBB2_1-.Ltmp0, $4  }
0x1ca: {  	[hbm4b:s31+s2] =	stream.linear.scatter [tilespmem:s26], [sflag:$0x2], $0x8000, $0x38;
	[tilespmem:$0x10100] =	vst v63  }
0x1cb: {  	_ =	swait.ge [sflag:s8], $0x8000  }
0x1cc: {  	[sflag:s8] =	ssyncset.done $0x0  }
0x1cd: {  	s7 =	sadd.s32 $0xFFFFFFFF, s7;
	[sflag:s8] =	ssyncadd.s32 $0xFFFF8000  }
0x1ce: {  	_ =	sfence.sel $0x180000  }
0x1cf: {  	[bflag:$0x0] =	sbarrier.arrive $0xFFFF  }
0x1d0: {  	_ =	strace $0x9000004A  }
0x1d1: {  	s0 =	stileid.u32;
	[bflag:$0x2] =	sbarrier.arrive $0xFFFF  }
0x1d2: {  	p0 =	sne.s32 s0, $0x0;
	s0 =	rddreg [dreg:$0x2]  }
0x1d3: {  	s0 =	sadd.s32 @!p0 $0x100000, s0  }
0x1d4: {  	[sflag:s0] =	ssyncadd.tile.s32 @!p0 $0x1;
	_ =	shalt  }
.Lfunc_end2:
_tile_overlayer_lowered:
.L_overlay_start_2:
0x1d5: {  	(tag) =	ssettag $0x2  }
0x1d6: {  	s0 =	rddreg [dreg:$0x0];
	s2 =	stileid.u32  }
0x1d7: {  	s1 =	rddreg [dreg:$0x1];
	p0 =	sne.s32 s2, $0x0  }
0x1d8: {  	s3 =	rddreg [dreg:$0x2];
	[bflag:$0x3] =	sbarrier.arrive $0xFFFF;
	s2 =	simm.s32 @!p0 $0x1C02  }
0x1d9: {  	[timem:s3], [sflag:s2] =	dma.local @!p0 [hbm:s0], s1  }
0x1da: {  	s0 =	simm.s32 @!p0 $0x2  }
0x1db: {  	_ =	swait.ge @!p0 [sflag:s0], s1  }
0x1dc: {  	s1 =	ssub.s32 @!p0 $0x0, s1;
	[sflag:s0] =	ssyncset.done @!p0 $0x0  }
0x1dd: {  	[sflag:s0] =	ssyncadd.s32 @!p0 s1  }
0x1de: {  	[bflag:$0x3] =	sbarrier.arrive $0xFFFF  }
0x1df: {  	_ =	shalt  }

</sc_bundles>
